<compile_context>
chip_gen: v7x
topology: tpu7x:2x2x1
jax: 0.10.2.dev20260603
libtpu: 0.0.44.dev20260713+nightly
codegen_flags: <defaults>
</compile_context>

<pallas_src>
import jax
import jax.numpy as jnp
from jax.experimental import pallas as pl
from jax.experimental.pallas import tpu as pltpu
from jax.experimental.pallas import tpu_sc as plsc

_D = 64
_W = 64


def _gather_rows(pe, idx2d, n):
    mesh = plsc.VectorSubcoreMesh(core_axis_name="c", subcore_axis_name="s")

    @pl.kernel(
        out_type=jax.ShapeDtypeStruct((n, _D), pe.dtype),
        mesh=mesh,
        compiler_params=pltpu.CompilerParams(use_tc_tiling_on_sc=False),
    )
    def gather_kernel(pe_hbm, idx_hbm, out_hbm):
        def body(idx_vmem, out_vmem):
            pltpu.sync_copy(pe_hbm.at[idx_vmem.at[0]], out_vmem)

        nw = 32
        steps = n // (_W * nw)
        pltpu.emit_pipeline(
            body,
            grid=(nw, steps),
            in_specs=[
                pl.BlockSpec((1, _W), index_map=lambda w, j: (0, j * nw + w))
            ],
            out_specs=[
                pl.BlockSpec((_W, _D), index_map=lambda w, j: (j * nw + w, 0))
            ],
            core_axis_name=("c", "s"),
            dimension_semantics=(pltpu.PARALLEL, pltpu.ARBITRARY),
        )(idx_hbm, out_hbm)

    return gather_kernel(pe, idx2d)


def kernel(x, pe):
    b, t = x.shape
    n = b * t
    idx2d = x.reshape(1, n).astype(jnp.int32)
    out = _gather_rows(pe, idx2d, n)
    return out.reshape(b, t, _D)

# --- scband reference (transcript-rebuilt; emitter-appended) ---
"""Pipeline reference for scband-int-encoding-22900765623054 (READ-ONLY COPY).

The authoritative reference and input builder live on the scoring server;
editing this copy changes nothing except your own understanding.
"""

import jax, jax.numpy as jnp
import numpy as np
import math

D_MODEL = 64
MAX_LEN = 10000

def _build_pe():
    position = jnp.arange(0.0, MAX_LEN)[:, None]
    div_term = jnp.exp(jnp.arange(0.0, D_MODEL, 2) * -(math.log(10000.0) / D_MODEL))
    pe = jnp.zeros((MAX_LEN, D_MODEL), dtype=jnp.float32)
    pe = pe.at[:, 0::2].set(jnp.sin(position * div_term))
    pe = pe.at[:, 1::2].set(jnp.cos(position * div_term))
    return pe

def setup_inputs(seed: int = 0) -> dict:
    key = jax.random.key(seed)
    x = jax.random.randint(key, (16384, 200), 0, MAX_LEN, dtype=jnp.int64 if jax.config.jax_enable_x64 else jnp.int32)
    pe = _build_pe()
    return {"x": x, "pe": pe}

def reference(x, pe):
    # embed = pe[x, :]  (row gather on the fixed positional-encoding table)
    embed = jnp.take(pe, x, axis=0)
    return embed

if __name__ == "__main__":
    import jax
    _d = setup_inputs()
    print(jax.jit(kernel)(*tuple(_d.values())))

</pallas_src>

<mosaic_0001>
#map = affine_map<(d0, d1) -> (0, 0)>
module attributes {stable_mosaic.version = 14 : i64} {
  func.func @gather_kernel(%arg0: i32, %arg1: i32, %arg2: memref<10000x64xf32, #tpu.memory_space<hbm>>, %arg3: memref<1x3276800xi32, #tpu.memory_space<hbm>>, %arg4: memref<3276800x64xf32, #tpu.memory_space<hbm>>) attributes {dimension_semantics = [#tpu.dimension_semantics<core_parallel>, #tpu.dimension_semantics<subcore_parallel>], iteration_bounds = array<i64: 2, 16>, scalar_prefetch = 0 : i64, scratch_operands = 0 : i64, tpu.core_type = #tpu.core_type<sc_vector_subcore>, window_params = [{transform_indices = #map}, {transform_indices = #map}, {transform_indices = #map}]} {
    %mul3A = arith.constant 1 : i32
    %mul3A_0 = arith.muli %arg1, %mul3A : i32
    %add3A = arith.constant 0 : i32
    %add3A_1 = arith.addi %add3A, %mul3A_0 : i32
    %mul3A_2 = arith.constant 16 : i32
    %mul3A_3 = arith.muli %arg0, %mul3A_2 : i32
    %add3A_4 = arith.addi %add3A_1, %mul3A_3 : i32
    %mul3A_5 = arith.constant 1 : i32
    %mul3A_6 = arith.muli %add3A_4, %mul3A_5 : i32
    "tpu.region"() ({
      %run_scoped3A = memref.alloca() : memref<2x1x64xi32, #tpu.memory_space<vmem>>
      %run_scoped3A_7 = tpu.sem_alloc : memref<2x!tpu.dma_semaphore, #tpu.memory_space<semaphore_mem>>
      %run_scoped3A_8 = memref.alloca() : memref<2x64x64xf32, #tpu.memory_space<vmem>>
      %run_scoped3A_9 = tpu.sem_alloc : memref<2x!tpu.dma_semaphore, #tpu.memory_space<semaphore_mem>>
      %add3A_10 = arith.constant 0 : i32
      %add3A_11 = arith.addi %add3A_10, %mul3A_6 : i32
      %select_n3A = arith.constant true
      %select_n3A_12 = arith.constant 0 : i32
      %select_n3A_13 = arith.constant -1 : i32
      %select_n3A_14 = arith.select %select_n3A, %select_n3A_13, %select_n3A_12 : i32
      %eq3A = arith.constant -1 : i32
      %eq3A_15 = arith.cmpi eq, %select_n3A_14, %eq3A : i32
      %select_n3A_16 = arith.constant 1599 : i32
      %select_n3A_17 = arith.select %eq3A_15, %select_n3A_16, %select_n3A_14 : i32
      %select_n3A_18 = arith.constant 0 : i32
      %select_n3A_19 = arith.constant -1 : i32
      %select_n3A_20 = arith.select %eq3A_15, %select_n3A_19, %select_n3A_18 : i32
      %eq3A_21 = arith.constant -1 : i32
      %eq3A_22 = arith.cmpi eq, %select_n3A_20, %eq3A_21 : i32
      %select_n3A_23 = arith.constant 0 : i32
      %select_n3A_24 = arith.select %eq3A_22, %select_n3A_23, %select_n3A_20 : i32
      %add3A_25 = arith.constant 0 : i32
      %add3A_26 = arith.addi %add3A_25, %mul3A_6 : i32
      %add3A_27 = arith.constant 0 : i32
      %add3A_28 = arith.addi %select_n3A_17, %add3A_27 : i32
      %select_n3A_29 = arith.constant true
      %select_n3A_30 = arith.constant 0 : i32
      %select_n3A_31 = arith.constant 1 : i32
      %select_n3A_32 = arith.select %select_n3A_29, %select_n3A_31, %select_n3A_30 : i32
      %eq3A_33 = arith.constant 1600 : i32
      %eq3A_34 = arith.cmpi eq, %select_n3A_32, %eq3A_33 : i32
      %select_n3A_35 = arith.constant 0 : i32
      %select_n3A_36 = arith.select %eq3A_34, %select_n3A_35, %select_n3A_32 : i32
      %select_n3A_37 = arith.constant 0 : i32
      %select_n3A_38 = arith.constant 1 : i32
      %select_n3A_39 = arith.select %eq3A_34, %select_n3A_38, %select_n3A_37 : i32
      %eq3A_40 = arith.constant 1 : i32
      %eq3A_41 = arith.cmpi eq, %select_n3A_39, %eq3A_40 : i32
      %select_n3A_42 = arith.constant 0 : i32
      %select_n3A_43 = arith.select %eq3A_41, %select_n3A_42, %select_n3A_39 : i32
      %add3A_44 = arith.constant 0 : i32
      %add3A_45 = arith.addi %add3A_44, %mul3A_6 : i32
      %add3A_46 = arith.constant 0 : i32
      %add3A_47 = arith.addi %select_n3A_36, %add3A_46 : i32
      %add3A_48 = arith.constant 1 : i32
      %add3A_49 = arith.addi %select_n3A_36, %add3A_48 : i32
      %select_n3A_50 = arith.constant true
      %select_n3A_51 = arith.select %select_n3A_50, %add3A_49, %select_n3A_36 : i32
      %eq3A_52 = arith.constant 1600 : i32
      %eq3A_53 = arith.cmpi eq, %select_n3A_51, %eq3A_52 : i32
      %select_n3A_54 = arith.constant 0 : i32
      %select_n3A_55 = arith.select %eq3A_53, %select_n3A_54, %select_n3A_51 : i32
      %select_n3A_56 = arith.constant 0 : i32
      %select_n3A_57 = arith.constant 1 : i32
      %select_n3A_58 = arith.select %eq3A_53, %select_n3A_57, %select_n3A_56 : i32
      %eq3A_59 = arith.constant 1 : i32
      %eq3A_60 = arith.cmpi eq, %select_n3A_58, %eq3A_59 : i32
      %select_n3A_61 = arith.constant 0 : i32
      %select_n3A_62 = arith.select %eq3A_60, %select_n3A_61, %select_n3A_58 : i32
      %add3A_63 = arith.constant 0 : i32
      %add3A_64 = arith.addi %add3A_63, %mul3A_6 : i32
      %add3A_65 = arith.constant 0 : i32
      %add3A_66 = arith.addi %select_n3A_55, %add3A_65 : i32
      "tpu.trace_start"() <{level = 10 : i32, message = "ep_initialize_0"}> : () -> ()
      %rem3A = arith.constant 0 : i32
      %rem3A_67 = arith.constant 2 : i32
      %rem3A_68 = arith.remui %rem3A, %rem3A_67 : i32
      %add3A_69 = arith.constant 0 : i32
      %add3A_70 = arith.addi %add3A_69, %add3A_11 : i32
      %mul3A_71 = arith.constant 64 : i32
      %mul3A_72 = arith.muli %mul3A_71, %add3A_70 : i32
      %dma_start3A = arith.constant 0 : i32
      %dma_start3A_73 = arith.constant 0 : i32
      %dma_start3A_74 = tpu.memref_slice %run_scoped3A[%rem3A_68, %dma_start3A, %dma_start3A_73] : memref<2x1x64xi32, #tpu.memory_space<vmem>> -> memref<1x1x64xi32, #tpu.memory_space<vmem>>
      %dma_start3A_75 = tpu.memref_squeeze %dma_start3A_74 : memref<1x1x64xi32, #tpu.memory_space<vmem>> -> memref<1x64xi32, #tpu.memory_space<vmem>>
      %dma_start3A_76 = arith.constant 0 : i32
      %dma_start3A_77 = tpu.memref_slice %arg3[%dma_start3A_76, %mul3A_72] : memref<1x3276800xi32, #tpu.memory_space<hbm>> -> memref<1x64xi32, #tpu.memory_space<hbm>>
      %dma_start3A_78 = tpu.memref_slice %run_scoped3A_7[%rem3A_68] : memref<2x!tpu.dma_semaphore, #tpu.memory_space<semaphore_mem>> -> memref<1x!tpu.dma_semaphore, #tpu.memory_space<semaphore_mem>>
      %dma_start3A_79 = tpu.memref_squeeze %dma_start3A_78 : memref<1x!tpu.dma_semaphore, #tpu.memory_space<semaphore_mem>> -> memref<!tpu.dma_semaphore, #tpu.memory_space<semaphore_mem>>
      %dma_start3A_80 = arith.constant 0 : i32
      %dma_start3A_81 = arith.constant 0 : i32
      %dma_start3A_82 = tpu.memref_slice %run_scoped3A[%rem3A_68, %dma_start3A_80, %dma_start3A_81] : memref<2x1x64xi32, #tpu.memory_space<vmem>> -> memref<1x1x64xi32, #tpu.memory_space<vmem>>
      %dma_start3A_83 = tpu.memref_squeeze %dma_start3A_82 : memref<1x1x64xi32, #tpu.memory_space<vmem>> -> memref<1x64xi32, #tpu.memory_space<vmem>>
      %dma_start3A_84 = arith.constant 0 : i32
      %dma_start3A_85 = tpu.memref_slice %arg3[%dma_start3A_84, %mul3A_72] : memref<1x3276800xi32, #tpu.memory_space<hbm>> -> memref<1x64xi32, #tpu.memory_space<hbm>>
      tpu.enqueue_dma source(%dma_start3A_85 : memref<1x64xi32, #tpu.memory_space<hbm>>) target(%dma_start3A_83 : memref<1x64xi32, #tpu.memory_space<vmem>>) target_semaphore(%dma_start3A_79 : memref<!tpu.dma_semaphore, #tpu.memory_space<semaphore_mem>>)
      %add3A_86 = arith.constant 0 : i32
      %add3A_87 = arith.constant 1 : i32
      %add3A_88 = arith.addi %add3A_86, %add3A_87 : i32
      %select_n3A_89 = arith.constant true
      %select_n3A_90 = arith.constant 0 : i32
      %select_n3A_91 = arith.select %select_n3A_89, %add3A_88, %select_n3A_90 : i32
      "tpu.trace_stop"() : () -> ()
      %scan3A = arith.constant 0 : i32
      %scan3A_92 = arith.constant 0 : i32
      %scan3A_93 = arith.constant 0 : i32
      %scan3A_94 = arith.constant 0 : i32
      %scan3A_95 = arith.constant 0 : i32
      %scan3A_96 = arith.constant 0 : i32
      %scan3A_97 = arith.constant 1600 : i32
      %scan3A_98 = arith.addi %scan3A_96, %scan3A_97 : i32
      %scan3A_99 = arith.constant 1 : i32
      %scan3A_100:6 = scf.for %scan3A_197 = %scan3A_96 to %scan3A_98 step %scan3A_99 iter_args(%scan3A_198 = %select_n3A_91, %scan3A_199 = %scan3A, %scan3A_200 = %scan3A_92, %scan3A_201 = %scan3A_93, %scan3A_202 = %scan3A_94, %scan3A_203 = %scan3A_95) -> (i32, i32, i32, i32, i32, i32)  : i32 {
        %eq3A_204 = arith.constant 0 : i32
        %eq3A_205 = arith.cmpi eq, %scan3A_197, %eq3A_204 : i32
        %eq3A_206 = arith.constant 1599 : i32
        %eq3A_207 = arith.cmpi eq, %scan3A_197, %eq3A_206 : i32
        %add3A_208 = arith.constant 0 : i32
        %add3A_209 = arith.addi %add3A_208, %mul3A_6 : i32
        %add3A_210 = arith.constant 0 : i32
        %add3A_211 = arith.addi %scan3A_203, %add3A_210 : i32
        %sub3A_212 = arith.constant 1 : i32
        %sub3A_213 = arith.subi %scan3A_203, %sub3A_212 : i32
        %select_n3A_214 = arith.constant true
        %select_n3A_215 = arith.select %select_n3A_214, %sub3A_213, %scan3A_203 : i32
        %eq3A_216 = arith.constant -1 : i32
        %eq3A_217 = arith.cmpi eq, %select_n3A_215, %eq3A_216 : i32
        %select_n3A_218 = arith.constant 1599 : i32
        %select_n3A_219 = arith.select %eq3A_217, %select_n3A_218, %select_n3A_215 : i32
        %select_n3A_220 = arith.constant 0 : i32
        %select_n3A_221 = arith.constant -1 : i32
        %select_n3A_222 = arith.select %eq3A_217, %select_n3A_221, %select_n3A_220 : i32
        %eq3A_223 = arith.constant -1 : i32
        %eq3A_224 = arith.cmpi eq, %select_n3A_222, %eq3A_223 : i32
        %select_n3A_225 = arith.constant 0 : i32
        %select_n3A_226 = arith.select %eq3A_224, %select_n3A_225, %select_n3A_222 : i32
        %add3A_227 = arith.constant 0 : i32
        %add3A_228 = arith.addi %add3A_227, %mul3A_6 : i32
        %add3A_229 = arith.constant 0 : i32
        %add3A_230 = arith.addi %select_n3A_219, %add3A_229 : i32
        %add3A_231 = arith.constant 1 : i32
        %add3A_232 = arith.addi %scan3A_203, %add3A_231 : i32
        %select_n3A_233 = arith.constant true
        %select_n3A_234 = arith.select %select_n3A_233, %add3A_232, %scan3A_203 : i32
        %eq3A_235 = arith.constant 1600 : i32
        %eq3A_236 = arith.cmpi eq, %select_n3A_234, %eq3A_235 : i32
        %select_n3A_237 = arith.constant 0 : i32
        %select_n3A_238 = arith.select %eq3A_236, %select_n3A_237, %select_n3A_234 : i32
        %select_n3A_239 = arith.constant 0 : i32
        %select_n3A_240 = arith.constant 1 : i32
        %select_n3A_241 = arith.select %eq3A_236, %select_n3A_240, %select_n3A_239 : i32
        %eq3A_242 = arith.constant 1 : i32
        %eq3A_243 = arith.cmpi eq, %select_n3A_241, %eq3A_242 : i32
        %select_n3A_244 = arith.constant 0 : i32
        %select_n3A_245 = arith.select %eq3A_243, %select_n3A_244, %select_n3A_241 : i32
        %add3A_246 = arith.constant 0 : i32
        %add3A_247 = arith.addi %add3A_246, %mul3A_6 : i32
        %add3A_248 = arith.constant 0 : i32
        %add3A_249 = arith.addi %select_n3A_238, %add3A_248 : i32
        %add3A_250 = arith.constant 1 : i32
        %add3A_251 = arith.addi %select_n3A_238, %add3A_250 : i32
        %select_n3A_252 = arith.constant true
        %select_n3A_253 = arith.select %select_n3A_252, %add3A_251, %select_n3A_238 : i32
        %eq3A_254 = arith.constant 1600 : i32
        %eq3A_255 = arith.cmpi eq, %select_n3A_253, %eq3A_254 : i32
        %select_n3A_256 = arith.constant 0 : i32
        %select_n3A_257 = arith.select %eq3A_255, %select_n3A_256, %select_n3A_253 : i32
        %select_n3A_258 = arith.constant 0 : i32
        %select_n3A_259 = arith.constant 1 : i32
        %select_n3A_260 = arith.select %eq3A_255, %select_n3A_259, %select_n3A_258 : i32
        %eq3A_261 = arith.constant 1 : i32
        %eq3A_262 = arith.cmpi eq, %select_n3A_260, %eq3A_261 : i32
        %select_n3A_263 = arith.constant 0 : i32
        %select_n3A_264 = arith.select %eq3A_262, %select_n3A_263, %select_n3A_260 : i32
        %add3A_265 = arith.constant 0 : i32
        %add3A_266 = arith.addi %add3A_265, %mul3A_6 : i32
        %add3A_267 = arith.constant 0 : i32
        %add3A_268 = arith.addi %select_n3A_257, %add3A_267 : i32
        %mul3A_269 = arith.constant 32 : i32
        %mul3A_270 = arith.muli %add3A_211, %mul3A_269 : i32
        %add3A_271 = arith.addi %mul3A_270, %add3A_209 : i32
        %mul3A_272 = arith.constant 32 : i32
        %mul3A_273 = arith.muli %add3A_249, %mul3A_272 : i32
        %add3A_274 = arith.addi %mul3A_273, %add3A_247 : i32
        %ne3A = arith.cmpi ne, %add3A_271, %add3A_274 : i32
        %or3A = arith.constant false
        %or3A_275 = arith.ori %or3A, %ne3A : i1
        %ge3A = arith.constant 1599 : i32
        %ge3A_276 = arith.cmpi sge, %scan3A_197, %ge3A : i32
        %not3A = arith.constant true
        %not3A_277 = arith.xori %ge3A_276, %not3A : i1
        %and3A = arith.andi %or3A_275, %not3A_277 : i1
        %convert_element_type3A = arith.extui %and3A : i1 to i32
        %cond3A = arith.constant 0 : i32
        %cond3A_278 = arith.cmpi ne, %convert_element_type3A, %cond3A : i32
        scf.if %cond3A_278 {
          "tpu.trace_start"() <{level = 10 : i32, message = "ep_copy_in"}> : () -> ()
          %rem3A_436 = arith.constant 2 : i32
          %rem3A_437 = arith.remui %scan3A_198, %rem3A_436 : i32
          %mul3A_438 = arith.constant 32 : i32
          %mul3A_439 = arith.muli %add3A_249, %mul3A_438 : i32
          %add3A_440 = arith.addi %mul3A_439, %add3A_247 : i32
          %mul3A_441 = arith.constant 64 : i32
          %mul3A_442 = arith.muli %mul3A_441, %add3A_440 : i32
          %dma_start3A_443 = arith.constant 0 : i32
          %dma_start3A_444 = arith.constant 0 : i32
          %dma_start3A_445 = tpu.memref_slice %run_scoped3A[%rem3A_437, %dma_start3A_443, %dma_start3A_444] : memref<2x1x64xi32, #tpu.memory_space<vmem>> -> memref<1x1x64xi32, #tpu.memory_space<vmem>>
          %dma_start3A_446 = tpu.memref_squeeze %dma_start3A_445 : memref<1x1x64xi32, #tpu.memory_space<vmem>> -> memref<1x64xi32, #tpu.memory_space<vmem>>
          %dma_start3A_447 = arith.constant 0 : i32
          %dma_start3A_448 = tpu.memref_slice %arg3[%dma_start3A_447, %mul3A_442] : memref<1x3276800xi32, #tpu.memory_space<hbm>> -> memref<1x64xi32, #tpu.memory_space<hbm>>
          %dma_start3A_449 = tpu.memref_slice %run_scoped3A_7[%rem3A_437] : memref<2x!tpu.dma_semaphore, #tpu.memory_space<semaphore_mem>> -> memref<1x!tpu.dma_semaphore, #tpu.memory_space<semaphore_mem>>
          %dma_start3A_450 = tpu.memref_squeeze %dma_start3A_449 : memref<1x!tpu.dma_semaphore, #tpu.memory_space<semaphore_mem>> -> memref<!tpu.dma_semaphore, #tpu.memory_space<semaphore_mem>>
          %dma_start3A_451 = arith.constant 0 : i32
          %dma_start3A_452 = arith.constant 0 : i32
          %dma_start3A_453 = tpu.memref_slice %run_scoped3A[%rem3A_437, %dma_start3A_451, %dma_start3A_452] : memref<2x1x64xi32, #tpu.memory_space<vmem>> -> memref<1x1x64xi32, #tpu.memory_space<vmem>>
          %dma_start3A_454 = tpu.memref_squeeze %dma_start3A_453 : memref<1x1x64xi32, #tpu.memory_space<vmem>> -> memref<1x64xi32, #tpu.memory_space<vmem>>
          %dma_start3A_455 = arith.constant 0 : i32
          %dma_start3A_456 = tpu.memref_slice %arg3[%dma_start3A_455, %mul3A_442] : memref<1x3276800xi32, #tpu.memory_space<hbm>> -> memref<1x64xi32, #tpu.memory_space<hbm>>
          tpu.enqueue_dma source(%dma_start3A_456 : memref<1x64xi32, #tpu.memory_space<hbm>>) target(%dma_start3A_454 : memref<1x64xi32, #tpu.memory_space<vmem>>) target_semaphore(%dma_start3A_450 : memref<!tpu.dma_semaphore, #tpu.memory_space<semaphore_mem>>)
          "tpu.trace_stop"() : () -> ()
        } else {
        }
        %and3A_279 = arith.constant true
        %and3A_280 = arith.andi %and3A, %and3A_279 : i1
        %add3A_281 = arith.constant 1 : i32
        %add3A_282 = arith.addi %scan3A_198, %add3A_281 : i32
        %select_n3A_283 = arith.select %and3A_280, %add3A_282, %scan3A_198 : i32
        %mul3A_284 = arith.constant 32 : i32
        %mul3A_285 = arith.muli %add3A_211, %mul3A_284 : i32
        %add3A_286 = arith.addi %mul3A_285, %add3A_209 : i32
        %mul3A_287 = arith.constant 32 : i32
        %mul3A_288 = arith.muli %add3A_249, %mul3A_287 : i32
        %add3A_289 = arith.addi %mul3A_288, %add3A_247 : i32
        %ne3A_290 = arith.cmpi ne, %add3A_286, %add3A_289 : i32
        %or3A_291 = arith.constant false
        %or3A_292 = arith.ori %or3A_291, %ne3A_290 : i1
        %or3A_293 = arith.constant false
        %or3A_294 = arith.ori %or3A_292, %or3A_293 : i1
        %ge3A_295 = arith.constant 1599 : i32
        %ge3A_296 = arith.cmpi sge, %scan3A_197, %ge3A_295 : i32
        %not3A_297 = arith.constant true
        %not3A_298 = arith.xori %ge3A_296, %not3A_297 : i1
        %and3A_299 = arith.andi %or3A_294, %not3A_298 : i1
        %mul3A_300 = arith.constant 32 : i32
        %mul3A_301 = arith.muli %add3A_211, %mul3A_300 : i32
        %add3A_302 = arith.addi %mul3A_301, %add3A_209 : i32
        %mul3A_303 = arith.constant 32 : i32
        %mul3A_304 = arith.muli %add3A_230, %mul3A_303 : i32
        %add3A_305 = arith.addi %mul3A_304, %add3A_228 : i32
        %ne3A_306 = arith.cmpi ne, %add3A_302, %add3A_305 : i32
        %or3A_307 = arith.constant false
        %or3A_308 = arith.ori %or3A_307, %ne3A_306 : i1
        %or3A_309 = arith.ori %or3A_308, %eq3A_205 : i1
        %convert_element_type3A_310 = arith.extui %or3A_309 : i1 to i32
        %cond3A_311 = arith.constant 0 : i32
        %cond3A_312 = arith.cmpi ne, %convert_element_type3A_310, %cond3A_311 : i32
        scf.if %cond3A_312 {
          "tpu.trace_start"() <{level = 10 : i32, message = "ep_wait_in"}> : () -> ()
          %mul3A_436 = arith.constant 32 : i32
          %mul3A_437 = arith.muli %add3A_211, %mul3A_436 : i32
          %add3A_438 = arith.addi %mul3A_437, %add3A_209 : i32
          %mul3A_439 = arith.constant 64 : i32
          %mul3A_440 = arith.muli %mul3A_439, %add3A_438 : i32
          %rem3A_441 = arith.constant 2 : i32
          %rem3A_442 = arith.remui %scan3A_199, %rem3A_441 : i32
          %dma_wait3A_443 = arith.constant 0 : i32
          %dma_wait3A_444 = arith.constant 0 : i32
          %dma_wait3A_445 = tpu.memref_slice %run_scoped3A[%rem3A_442, %dma_wait3A_443, %dma_wait3A_444] : memref<2x1x64xi32, #tpu.memory_space<vmem>> -> memref<1x1x64xi32, #tpu.memory_space<vmem>>
          %dma_wait3A_446 = tpu.memref_squeeze %dma_wait3A_445 : memref<1x1x64xi32, #tpu.memory_space<vmem>> -> memref<1x64xi32, #tpu.memory_space<vmem>>
          %dma_wait3A_447 = arith.constant 0 : i32
          %dma_wait3A_448 = tpu.memref_slice %arg3[%dma_wait3A_447, %mul3A_440] : memref<1x3276800xi32, #tpu.memory_space<hbm>> -> memref<1x64xi32, #tpu.memory_space<hbm>>
          %dma_wait3A_449 = tpu.memref_slice %run_scoped3A_7[%rem3A_442] : memref<2x!tpu.dma_semaphore, #tpu.memory_space<semaphore_mem>> -> memref<1x!tpu.dma_semaphore, #tpu.memory_space<semaphore_mem>>
          %dma_wait3A_450 = tpu.memref_squeeze %dma_wait3A_449 : memref<1x!tpu.dma_semaphore, #tpu.memory_space<semaphore_mem>> -> memref<!tpu.dma_semaphore, #tpu.memory_space<semaphore_mem>>
          %dma_wait3A_451 = arith.constant 0 : i32
          %dma_wait3A_452 = arith.constant 0 : i32
          %dma_wait3A_453 = tpu.memref_slice %run_scoped3A[%rem3A_442, %dma_wait3A_451, %dma_wait3A_452] : memref<2x1x64xi32, #tpu.memory_space<vmem>> -> memref<1x1x64xi32, #tpu.memory_space<vmem>>
          %dma_wait3A_454 = tpu.memref_squeeze %dma_wait3A_453 : memref<1x1x64xi32, #tpu.memory_space<vmem>> -> memref<1x64xi32, #tpu.memory_space<vmem>>
          %dma_wait3A_455 = arith.constant 0 : i32
          %dma_wait3A_456 = tpu.memref_slice %arg3[%dma_wait3A_455, %mul3A_440] : memref<1x3276800xi32, #tpu.memory_space<hbm>> -> memref<1x64xi32, #tpu.memory_space<hbm>>
          tpu.wait_dma2 semaphore(%dma_wait3A_450 : memref<!tpu.dma_semaphore, #tpu.memory_space<semaphore_mem>>) src(%dma_wait3A_456 : memref<1x64xi32, #tpu.memory_space<hbm>>) dst(%dma_wait3A_454 : memref<1x64xi32, #tpu.memory_space<vmem>>)
          "tpu.trace_stop"() : () -> ()
        } else {
        }
        %mul3A_313 = arith.constant 32 : i32
        %mul3A_314 = arith.muli %add3A_211, %mul3A_313 : i32
        %add3A_315 = arith.addi %mul3A_314, %add3A_209 : i32
        %mul3A_316 = arith.constant 32 : i32
        %mul3A_317 = arith.muli %add3A_230, %mul3A_316 : i32
        %add3A_318 = arith.addi %mul3A_317, %add3A_228 : i32
        %ne3A_319 = arith.cmpi ne, %add3A_315, %add3A_318 : i32
        %or3A_320 = arith.constant false
        %or3A_321 = arith.ori %or3A_320, %ne3A_319 : i1
        %or3A_322 = arith.constant false
        %or3A_323 = arith.ori %or3A_321, %or3A_322 : i1
        %or3A_324 = arith.ori %or3A_323, %eq3A_205 : i1
        %convert_element_type3A_325 = arith.extui %or3A_324 : i1 to i32
        %cond3A_326 = arith.constant 0 : i32
        %cond3A_327 = arith.cmpi ne, %convert_element_type3A_325, %cond3A_326 : i32
        scf.if %cond3A_327 {
        } else {
        }
        %rem3A_328 = arith.constant 2 : i32
        %rem3A_329 = arith.remui %scan3A_199, %rem3A_328 : i32
        %rem3A_330 = arith.constant 2 : i32
        %rem3A_331 = arith.remui %scan3A_200, %rem3A_330 : i32
        %run_scoped3A_332 = arith.constant 0 : i32
        "tpu.trace_start"() <{level = 10 : i32, message = "ep_run_kernel"}> : () -> ()
        "tpu.region"() ({
          %run_scoped3A_436 = tpu.sem_alloc : memref<!tpu.dma_semaphore, #tpu.memory_space<semaphore_mem>>
          %dma_start3A_437 = arith.constant 0 : i32
          %dma_start3A_438 = arith.constant 0 : i32
          %dma_start3A_439 = tpu.memref_slice %run_scoped3A_8[%rem3A_331, %dma_start3A_437, %dma_start3A_438] : memref<2x64x64xf32, #tpu.memory_space<vmem>> -> memref<1x64x64xf32, #tpu.memory_space<vmem>>
          %dma_start3A_440 = tpu.memref_squeeze %dma_start3A_439 : memref<1x64x64xf32, #tpu.memory_space<vmem>> -> memref<64x64xf32, #tpu.memory_space<vmem>>
          %dma_start3A_441 = arith.constant 0 : i32
          %dma_start3A_442 = arith.constant 0 : i32
          %dma_start3A_443 = tpu.memref_slice %run_scoped3A[%rem3A_329, %dma_start3A_441, %dma_start3A_442] : memref<2x1x64xi32, #tpu.memory_space<vmem>> -> memref<1x1x64xi32, #tpu.memory_space<vmem>>
          %dma_start3A_444 = tpu.memref_squeeze %dma_start3A_443 : memref<1x1x64xi32, #tpu.memory_space<vmem>> -> memref<1x64xi32, #tpu.memory_space<vmem>>
          %dma_start3A_445 = arith.constant 0 : i32
          %dma_start3A_446 = tpu.memref_slice %dma_start3A_444[%run_scoped3A_332, %dma_start3A_445] : memref<1x64xi32, #tpu.memory_space<vmem>> -> memref<1x64xi32, #tpu.memory_space<vmem>>
          %dma_start3A_447 = tpu.memref_squeeze %dma_start3A_446 : memref<1x64xi32, #tpu.memory_space<vmem>> -> memref<64xi32, #tpu.memory_space<vmem>>
          %dma_start3A_448 = arith.constant 0 : i32
          %dma_start3A_449 = arith.constant 0 : i32
          %dma_start3A_450 = tpu.memref_slice %arg2[%dma_start3A_448, %dma_start3A_449] : memref<10000x64xf32, #tpu.memory_space<hbm>> -> memref<10000x64xf32, #tpu.memory_space<hbm>>
          tpu.enqueue_indirect_dma source(%dma_start3A_450 : memref<10000x64xf32, #tpu.memory_space<hbm>>) target(%dma_start3A_440 : memref<64x64xf32, #tpu.memory_space<vmem>>) offsets(%dma_start3A_447 : memref<64xi32, #tpu.memory_space<vmem>>) semaphore(%run_scoped3A_436 : memref<!tpu.dma_semaphore, #tpu.memory_space<semaphore_mem>>)
          %dma_wait3A_451 = arith.constant 0 : i32
          %dma_wait3A_452 = arith.constant 0 : i32
          %dma_wait3A_453 = tpu.memref_slice %run_scoped3A_8[%rem3A_331, %dma_wait3A_451, %dma_wait3A_452] : memref<2x64x64xf32, #tpu.memory_space<vmem>> -> memref<1x64x64xf32, #tpu.memory_space<vmem>>
          %dma_wait3A_454 = tpu.memref_squeeze %dma_wait3A_453 : memref<1x64x64xf32, #tpu.memory_space<vmem>> -> memref<64x64xf32, #tpu.memory_space<vmem>>
          %dma_wait3A_455 = arith.constant 0 : i32
          %dma_wait3A_456 = arith.constant 0 : i32
          %dma_wait3A_457 = tpu.memref_slice %run_scoped3A[%rem3A_329, %dma_wait3A_455, %dma_wait3A_456] : memref<2x1x64xi32, #tpu.memory_space<vmem>> -> memref<1x1x64xi32, #tpu.memory_space<vmem>>
          %dma_wait3A_458 = tpu.memref_squeeze %dma_wait3A_457 : memref<1x1x64xi32, #tpu.memory_space<vmem>> -> memref<1x64xi32, #tpu.memory_space<vmem>>
          %dma_wait3A_459 = arith.constant 0 : i32
          %dma_wait3A_460 = tpu.memref_slice %dma_wait3A_458[%run_scoped3A_332, %dma_wait3A_459] : memref<1x64xi32, #tpu.memory_space<vmem>> -> memref<1x64xi32, #tpu.memory_space<vmem>>
          %dma_wait3A_461 = tpu.memref_squeeze %dma_wait3A_460 : memref<1x64xi32, #tpu.memory_space<vmem>> -> memref<64xi32, #tpu.memory_space<vmem>>
          %dma_wait3A_462 = arith.constant 0 : i32
          %dma_wait3A_463 = arith.constant 0 : i32
          %dma_wait3A_464 = tpu.memref_slice %arg2[%dma_wait3A_462, %dma_wait3A_463] : memref<10000x64xf32, #tpu.memory_space<hbm>> -> memref<10000x64xf32, #tpu.memory_space<hbm>>
          tpu.wait_indirect_dma semaphore(%run_scoped3A_436 : memref<!tpu.dma_semaphore, #tpu.memory_space<semaphore_mem>>) src(%dma_wait3A_464 : memref<10000x64xf32, #tpu.memory_space<hbm>>) dst(%dma_wait3A_454 : memref<64x64xf32, #tpu.memory_space<vmem>>)
          tpu.yield
        }) : () -> ()
        "tpu.trace_stop"() : () -> ()
        %mul3A_333 = arith.constant 32 : i32
        %mul3A_334 = arith.muli %add3A_211, %mul3A_333 : i32
        %add3A_335 = arith.addi %mul3A_334, %add3A_209 : i32
        %mul3A_336 = arith.constant 32 : i32
        %mul3A_337 = arith.muli %add3A_249, %mul3A_336 : i32
        %add3A_338 = arith.addi %mul3A_337, %add3A_247 : i32
        %ne3A_339 = arith.cmpi ne, %add3A_335, %add3A_338 : i32
        %or3A_340 = arith.constant false
        %or3A_341 = arith.ori %or3A_340, %ne3A_339 : i1
        %or3A_342 = arith.ori %or3A_341, %eq3A_207 : i1
        %convert_element_type3A_343 = arith.extui %or3A_342 : i1 to i32
        %cond3A_344 = arith.constant 0 : i32
        %cond3A_345 = arith.cmpi ne, %convert_element_type3A_343, %cond3A_344 : i32
        scf.if %cond3A_345 {
        } else {
        }
        %and3A_346 = arith.constant false
        %and3A_347 = arith.andi %or3A_342, %and3A_346 : i1
        %mul3A_348 = arith.constant 32 : i32
        %mul3A_349 = arith.muli %add3A_211, %mul3A_348 : i32
        %add3A_350 = arith.addi %mul3A_349, %add3A_209 : i32
        %mul3A_351 = arith.constant 32 : i32
        %mul3A_352 = arith.muli %add3A_249, %mul3A_351 : i32
        %add3A_353 = arith.addi %mul3A_352, %add3A_247 : i32
        %ne3A_354 = arith.cmpi ne, %add3A_350, %add3A_353 : i32
        %or3A_355 = arith.constant false
        %or3A_356 = arith.ori %or3A_355, %ne3A_354 : i1
        %or3A_357 = arith.constant false
        %or3A_358 = arith.ori %or3A_356, %or3A_357 : i1
        %or3A_359 = arith.ori %or3A_358, %eq3A_207 : i1
        %convert_element_type3A_360 = arith.extui %or3A_359 : i1 to i32
        %cond3A_361 = arith.constant 0 : i32
        %cond3A_362 = arith.cmpi ne, %convert_element_type3A_360, %cond3A_361 : i32
        scf.if %cond3A_362 {
          "tpu.trace_start"() <{level = 10 : i32, message = "ep_copy_out"}> : () -> ()
          %rem3A_436 = arith.constant 2 : i32
          %rem3A_437 = arith.remui %scan3A_200, %rem3A_436 : i32
          %mul3A_438 = arith.constant 32 : i32
          %mul3A_439 = arith.muli %add3A_211, %mul3A_438 : i32
          %add3A_440 = arith.addi %mul3A_439, %add3A_209 : i32
          %mul3A_441 = arith.constant 64 : i32
          %mul3A_442 = arith.muli %mul3A_441, %add3A_440 : i32
          %dma_start3A_443 = arith.constant 0 : i32
          %dma_start3A_444 = arith.constant 0 : i32
          %dma_start3A_445 = tpu.memref_slice %run_scoped3A_8[%rem3A_437, %dma_start3A_443, %dma_start3A_444] : memref<2x64x64xf32, #tpu.memory_space<vmem>> -> memref<1x64x64xf32, #tpu.memory_space<vmem>>
          %dma_start3A_446 = tpu.memref_squeeze %dma_start3A_445 : memref<1x64x64xf32, #tpu.memory_space<vmem>> -> memref<64x64xf32, #tpu.memory_space<vmem>>
          %dma_start3A_447 = arith.constant 0 : i32
          %dma_start3A_448 = tpu.memref_slice %arg4[%mul3A_442, %dma_start3A_447] : memref<3276800x64xf32, #tpu.memory_space<hbm>> -> memref<64x64xf32, #tpu.memory_space<hbm>>
          %dma_start3A_449 = tpu.memref_slice %run_scoped3A_9[%rem3A_437] : memref<2x!tpu.dma_semaphore, #tpu.memory_space<semaphore_mem>> -> memref<1x!tpu.dma_semaphore, #tpu.memory_space<semaphore_mem>>
          %dma_start3A_450 = tpu.memref_squeeze %dma_start3A_449 : memref<1x!tpu.dma_semaphore, #tpu.memory_space<semaphore_mem>> -> memref<!tpu.dma_semaphore, #tpu.memory_space<semaphore_mem>>
          %dma_start3A_451 = arith.constant 0 : i32
          %dma_start3A_452 = tpu.memref_slice %arg4[%mul3A_442, %dma_start3A_451] : memref<3276800x64xf32, #tpu.memory_space<hbm>> -> memref<64x64xf32, #tpu.memory_space<hbm>>
          %dma_start3A_453 = arith.constant 0 : i32
          %dma_start3A_454 = arith.constant 0 : i32
          %dma_start3A_455 = tpu.memref_slice %run_scoped3A_8[%rem3A_437, %dma_start3A_453, %dma_start3A_454] : memref<2x64x64xf32, #tpu.memory_space<vmem>> -> memref<1x64x64xf32, #tpu.memory_space<vmem>>
          %dma_start3A_456 = tpu.memref_squeeze %dma_start3A_455 : memref<1x64x64xf32, #tpu.memory_space<vmem>> -> memref<64x64xf32, #tpu.memory_space<vmem>>
          tpu.enqueue_dma source(%dma_start3A_456 : memref<64x64xf32, #tpu.memory_space<vmem>>) target(%dma_start3A_452 : memref<64x64xf32, #tpu.memory_space<hbm>>) target_semaphore(%dma_start3A_450 : memref<!tpu.dma_semaphore, #tpu.memory_space<semaphore_mem>>)
          "tpu.trace_stop"() : () -> ()
        } else {
        }
        %and3A_363 = arith.constant true
        %and3A_364 = arith.andi %or3A_359, %and3A_363 : i1
        %add3A_365 = arith.constant 1 : i32
        %add3A_366 = arith.addi %scan3A_200, %add3A_365 : i32
        %select_n3A_367 = arith.select %and3A_364, %add3A_366, %scan3A_200 : i32
        %mul3A_368 = arith.constant 32 : i32
        %mul3A_369 = arith.muli %add3A_211, %mul3A_368 : i32
        %add3A_370 = arith.addi %mul3A_369, %add3A_209 : i32
        %mul3A_371 = arith.constant 32 : i32
        %mul3A_372 = arith.muli %add3A_230, %mul3A_371 : i32
        %add3A_373 = arith.addi %mul3A_372, %add3A_228 : i32
        %ne3A_374 = arith.cmpi ne, %add3A_370, %add3A_373 : i32
        %or3A_375 = arith.constant false
        %or3A_376 = arith.ori %or3A_375, %ne3A_374 : i1
        %not3A_377 = arith.constant true
        %not3A_378 = arith.xori %eq3A_205, %not3A_377 : i1
        %and3A_379 = arith.andi %or3A_376, %not3A_378 : i1
        %convert_element_type3A_380 = arith.extui %and3A_379 : i1 to i32
        %cond3A_381 = arith.constant 0 : i32
        %cond3A_382 = arith.cmpi ne, %convert_element_type3A_380, %cond3A_381 : i32
        scf.if %cond3A_382 {
        } else {
        }
        %and3A_383 = arith.constant false
        %and3A_384 = arith.andi %and3A_379, %and3A_383 : i1
        %mul3A_385 = arith.constant 32 : i32
        %mul3A_386 = arith.muli %add3A_211, %mul3A_385 : i32
        %add3A_387 = arith.addi %mul3A_386, %add3A_209 : i32
        %mul3A_388 = arith.constant 32 : i32
        %mul3A_389 = arith.muli %add3A_230, %mul3A_388 : i32
        %add3A_390 = arith.addi %mul3A_389, %add3A_228 : i32
        %ne3A_391 = arith.cmpi ne, %add3A_387, %add3A_390 : i32
        %or3A_392 = arith.constant false
        %or3A_393 = arith.ori %or3A_392, %ne3A_391 : i1
        %or3A_394 = arith.constant false
        %or3A_395 = arith.ori %or3A_393, %or3A_394 : i1
        %not3A_396 = arith.constant true
        %not3A_397 = arith.xori %eq3A_205, %not3A_396 : i1
        %and3A_398 = arith.andi %or3A_395, %not3A_397 : i1
        %convert_element_type3A_399 = arith.extui %and3A_398 : i1 to i32
        %cond3A_400 = arith.constant 0 : i32
        %cond3A_401 = arith.cmpi ne, %convert_element_type3A_399, %cond3A_400 : i32
        scf.if %cond3A_401 {
          "tpu.trace_start"() <{level = 10 : i32, message = "ep_wait_out"}> : () -> ()
          %rem3A_436 = arith.constant 2 : i32
          %rem3A_437 = arith.remui %scan3A_201, %rem3A_436 : i32
          %mul3A_438 = arith.constant 32 : i32
          %mul3A_439 = arith.muli %add3A_230, %mul3A_438 : i32
          %add3A_440 = arith.addi %mul3A_439, %add3A_228 : i32
          %mul3A_441 = arith.constant 64 : i32
          %mul3A_442 = arith.muli %mul3A_441, %add3A_440 : i32
          %dma_wait3A_443 = arith.constant 0 : i32
          %dma_wait3A_444 = arith.constant 0 : i32
          %dma_wait3A_445 = tpu.memref_slice %run_scoped3A_8[%rem3A_437, %dma_wait3A_443, %dma_wait3A_444] : memref<2x64x64xf32, #tpu.memory_space<vmem>> -> memref<1x64x64xf32, #tpu.memory_space<vmem>>
          %dma_wait3A_446 = tpu.memref_squeeze %dma_wait3A_445 : memref<1x64x64xf32, #tpu.memory_space<vmem>> -> memref<64x64xf32, #tpu.memory_space<vmem>>
          %dma_wait3A_447 = arith.constant 0 : i32
          %dma_wait3A_448 = tpu.memref_slice %arg4[%mul3A_442, %dma_wait3A_447] : memref<3276800x64xf32, #tpu.memory_space<hbm>> -> memref<64x64xf32, #tpu.memory_space<hbm>>
          %dma_wait3A_449 = tpu.memref_slice %run_scoped3A_9[%rem3A_437] : memref<2x!tpu.dma_semaphore, #tpu.memory_space<semaphore_mem>> -> memref<1x!tpu.dma_semaphore, #tpu.memory_space<semaphore_mem>>
          %dma_wait3A_450 = tpu.memref_squeeze %dma_wait3A_449 : memref<1x!tpu.dma_semaphore, #tpu.memory_space<semaphore_mem>> -> memref<!tpu.dma_semaphore, #tpu.memory_space<semaphore_mem>>
          %dma_wait3A_451 = arith.constant 0 : i32
          %dma_wait3A_452 = tpu.memref_slice %arg4[%mul3A_442, %dma_wait3A_451] : memref<3276800x64xf32, #tpu.memory_space<hbm>> -> memref<64x64xf32, #tpu.memory_space<hbm>>
          %dma_wait3A_453 = arith.constant 0 : i32
          %dma_wait3A_454 = arith.constant 0 : i32
          %dma_wait3A_455 = tpu.memref_slice %run_scoped3A_8[%rem3A_437, %dma_wait3A_453, %dma_wait3A_454] : memref<2x64x64xf32, #tpu.memory_space<vmem>> -> memref<1x64x64xf32, #tpu.memory_space<vmem>>
          %dma_wait3A_456 = tpu.memref_squeeze %dma_wait3A_455 : memref<1x64x64xf32, #tpu.memory_space<vmem>> -> memref<64x64xf32, #tpu.memory_space<vmem>>
          tpu.wait_dma2 semaphore(%dma_wait3A_450 : memref<!tpu.dma_semaphore, #tpu.memory_space<semaphore_mem>>) src(%dma_wait3A_456 : memref<64x64xf32, #tpu.memory_space<vmem>>) dst(%dma_wait3A_452 : memref<64x64xf32, #tpu.memory_space<hbm>>)
          "tpu.trace_stop"() : () -> ()
        } else {
        }
        %and3A_402 = arith.constant true
        %and3A_403 = arith.andi %and3A_398, %and3A_402 : i1
        %add3A_404 = arith.constant 1 : i32
        %add3A_405 = arith.addi %scan3A_201, %add3A_404 : i32
        %select_n3A_406 = arith.select %and3A_403, %add3A_405, %scan3A_201 : i32
        %mul3A_407 = arith.constant 32 : i32
        %mul3A_408 = arith.muli %add3A_211, %mul3A_407 : i32
        %add3A_409 = arith.addi %mul3A_408, %add3A_209 : i32
        %mul3A_410 = arith.constant 32 : i32
        %mul3A_411 = arith.muli %add3A_249, %mul3A_410 : i32
        %add3A_412 = arith.addi %mul3A_411, %add3A_247 : i32
        %ne3A_413 = arith.cmpi ne, %add3A_409, %add3A_412 : i32
        %or3A_414 = arith.constant false
        %or3A_415 = arith.ori %or3A_414, %ne3A_413 : i1
        %or3A_416 = arith.ori %or3A_415, %eq3A_207 : i1
        %add3A_417 = arith.constant 1 : i32
        %add3A_418 = arith.addi %scan3A_199, %add3A_417 : i32
        %select_n3A_419 = arith.select %or3A_416, %add3A_418, %scan3A_199 : i32
        %add3A_420 = arith.constant 1 : i32
        %add3A_421 = arith.addi %scan3A_203, %add3A_420 : i32
        %select_n3A_422 = arith.constant true
        %select_n3A_423 = arith.select %select_n3A_422, %add3A_421, %scan3A_203 : i32
        %eq3A_424 = arith.constant 1600 : i32
        %eq3A_425 = arith.cmpi eq, %select_n3A_423, %eq3A_424 : i32
        %select_n3A_426 = arith.constant 0 : i32
        %select_n3A_427 = arith.select %eq3A_425, %select_n3A_426, %select_n3A_423 : i32
        %select_n3A_428 = arith.constant 0 : i32
        %select_n3A_429 = arith.constant 1 : i32
        %select_n3A_430 = arith.select %eq3A_425, %select_n3A_429, %select_n3A_428 : i32
        %eq3A_431 = arith.constant 1 : i32
        %eq3A_432 = arith.cmpi eq, %select_n3A_430, %eq3A_431 : i32
        %select_n3A_433 = arith.constant 0 : i32
        %select_n3A_434 = arith.select %eq3A_432, %select_n3A_433, %select_n3A_430 : i32
        %scan3A_435 = arith.constant 0 : i32
        scf.yield %select_n3A_283, %select_n3A_419, %select_n3A_367, %select_n3A_406, %scan3A_435, %select_n3A_427 : i32, i32, i32, i32, i32, i32
      }
      %scan3A_101 = arith.constant 1600 : i32
      %sub3A = arith.constant 1 : i32
      %sub3A_102 = arith.subi %scan3A_100#5, %sub3A : i32
      %select_n3A_103 = arith.constant true
      %select_n3A_104 = arith.select %select_n3A_103, %sub3A_102, %scan3A_100#5 : i32
      %eq3A_105 = arith.constant -1 : i32
      %eq3A_106 = arith.cmpi eq, %select_n3A_104, %eq3A_105 : i32
      %select_n3A_107 = arith.constant 1599 : i32
      %select_n3A_108 = arith.select %eq3A_106, %select_n3A_107, %select_n3A_104 : i32
      %sub3A_109 = arith.constant 1 : i32
      %sub3A_110 = arith.subi %scan3A_100#4, %sub3A_109 : i32
      %select_n3A_111 = arith.select %eq3A_106, %sub3A_110, %scan3A_100#4 : i32
      %eq3A_112 = arith.constant -1 : i32
      %eq3A_113 = arith.cmpi eq, %select_n3A_111, %eq3A_112 : i32
      %select_n3A_114 = arith.constant 0 : i32
      %select_n3A_115 = arith.select %eq3A_113, %select_n3A_114, %select_n3A_111 : i32
      %add3A_116 = arith.constant 0 : i32
      %add3A_117 = arith.addi %add3A_116, %mul3A_6 : i32
      %add3A_118 = arith.constant 0 : i32
      %add3A_119 = arith.addi %select_n3A_108, %add3A_118 : i32
      %sub3A_120 = arith.constant 1 : i32
      %sub3A_121 = arith.subi %select_n3A_108, %sub3A_120 : i32
      %select_n3A_122 = arith.constant true
      %select_n3A_123 = arith.select %select_n3A_122, %sub3A_121, %select_n3A_108 : i32
      %eq3A_124 = arith.constant -1 : i32
      %eq3A_125 = arith.cmpi eq, %select_n3A_123, %eq3A_124 : i32
      %select_n3A_126 = arith.constant 1599 : i32
      %select_n3A_127 = arith.select %eq3A_125, %select_n3A_126, %select_n3A_123 : i32
      %select_n3A_128 = arith.constant 0 : i32
      %select_n3A_129 = arith.constant -1 : i32
      %select_n3A_130 = arith.select %eq3A_125, %select_n3A_129, %select_n3A_128 : i32
      %eq3A_131 = arith.constant -1 : i32
      %eq3A_132 = arith.cmpi eq, %select_n3A_130, %eq3A_131 : i32
      %select_n3A_133 = arith.constant 0 : i32
      %select_n3A_134 = arith.select %eq3A_132, %select_n3A_133, %select_n3A_130 : i32
      %add3A_135 = arith.constant 0 : i32
      %add3A_136 = arith.addi %add3A_135, %mul3A_6 : i32
      %add3A_137 = arith.constant 0 : i32
      %add3A_138 = arith.addi %select_n3A_127, %add3A_137 : i32
      %add3A_139 = arith.constant 1 : i32
      %add3A_140 = arith.addi %select_n3A_108, %add3A_139 : i32
      %select_n3A_141 = arith.constant true
      %select_n3A_142 = arith.select %select_n3A_141, %add3A_140, %select_n3A_108 : i32
      %eq3A_143 = arith.constant 1600 : i32
      %eq3A_144 = arith.cmpi eq, %select_n3A_142, %eq3A_143 : i32
      %select_n3A_145 = arith.constant 0 : i32
      %select_n3A_146 = arith.select %eq3A_144, %select_n3A_145, %select_n3A_142 : i32
      %select_n3A_147 = arith.constant 0 : i32
      %select_n3A_148 = arith.constant 1 : i32
      %select_n3A_149 = arith.select %eq3A_144, %select_n3A_148, %select_n3A_147 : i32
      %eq3A_150 = arith.constant 1 : i32
      %eq3A_151 = arith.cmpi eq, %select_n3A_149, %eq3A_150 : i32
      %select_n3A_152 = arith.constant 0 : i32
      %select_n3A_153 = arith.select %eq3A_151, %select_n3A_152, %select_n3A_149 : i32
      %add3A_154 = arith.constant 0 : i32
      %add3A_155 = arith.addi %add3A_154, %mul3A_6 : i32
      %add3A_156 = arith.constant 0 : i32
      %add3A_157 = arith.addi %select_n3A_146, %add3A_156 : i32
      %add3A_158 = arith.constant 1 : i32
      %add3A_159 = arith.addi %select_n3A_146, %add3A_158 : i32
      %select_n3A_160 = arith.constant true
      %select_n3A_161 = arith.select %select_n3A_160, %add3A_159, %select_n3A_146 : i32
      %eq3A_162 = arith.constant 1600 : i32
      %eq3A_163 = arith.cmpi eq, %select_n3A_161, %eq3A_162 : i32
      %select_n3A_164 = arith.constant 0 : i32
      %select_n3A_165 = arith.select %eq3A_163, %select_n3A_164, %select_n3A_161 : i32
      %select_n3A_166 = arith.constant 0 : i32
      %select_n3A_167 = arith.constant 1 : i32
      %select_n3A_168 = arith.select %eq3A_163, %select_n3A_167, %select_n3A_166 : i32
      %eq3A_169 = arith.constant 1 : i32
      %eq3A_170 = arith.cmpi eq, %select_n3A_168, %eq3A_169 : i32
      %select_n3A_171 = arith.constant 0 : i32
      %select_n3A_172 = arith.select %eq3A_170, %select_n3A_171, %select_n3A_168 : i32
      %add3A_173 = arith.constant 0 : i32
      %add3A_174 = arith.addi %add3A_173, %mul3A_6 : i32
      %add3A_175 = arith.constant 0 : i32
      %add3A_176 = arith.addi %select_n3A_165, %add3A_175 : i32
      "tpu.trace_start"() <{level = 10 : i32, message = "ep_finalize"}> : () -> ()
      %rem3A_177 = arith.constant 2 : i32
      %rem3A_178 = arith.remui %scan3A_100#3, %rem3A_177 : i32
      %mul3A_179 = arith.constant 32 : i32
      %mul3A_180 = arith.muli %add3A_119, %mul3A_179 : i32
      %add3A_181 = arith.addi %mul3A_180, %add3A_117 : i32
      %mul3A_182 = arith.constant 64 : i32
      %mul3A_183 = arith.muli %mul3A_182, %add3A_181 : i32
      %dma_wait3A = arith.constant 0 : i32
      %dma_wait3A_184 = arith.constant 0 : i32
      %dma_wait3A_185 = tpu.memref_slice %run_scoped3A_8[%rem3A_178, %dma_wait3A, %dma_wait3A_184] : memref<2x64x64xf32, #tpu.memory_space<vmem>> -> memref<1x64x64xf32, #tpu.memory_space<vmem>>
      %dma_wait3A_186 = tpu.memref_squeeze %dma_wait3A_185 : memref<1x64x64xf32, #tpu.memory_space<vmem>> -> memref<64x64xf32, #tpu.memory_space<vmem>>
      %dma_wait3A_187 = arith.constant 0 : i32
      %dma_wait3A_188 = tpu.memref_slice %arg4[%mul3A_183, %dma_wait3A_187] : memref<3276800x64xf32, #tpu.memory_space<hbm>> -> memref<64x64xf32, #tpu.memory_space<hbm>>
      %dma_wait3A_189 = tpu.memref_slice %run_scoped3A_9[%rem3A_178] : memref<2x!tpu.dma_semaphore, #tpu.memory_space<semaphore_mem>> -> memref<1x!tpu.dma_semaphore, #tpu.memory_space<semaphore_mem>>
      %dma_wait3A_190 = tpu.memref_squeeze %dma_wait3A_189 : memref<1x!tpu.dma_semaphore, #tpu.memory_space<semaphore_mem>> -> memref<!tpu.dma_semaphore, #tpu.memory_space<semaphore_mem>>
      %dma_wait3A_191 = arith.constant 0 : i32
      %dma_wait3A_192 = tpu.memref_slice %arg4[%mul3A_183, %dma_wait3A_191] : memref<3276800x64xf32, #tpu.memory_space<hbm>> -> memref<64x64xf32, #tpu.memory_space<hbm>>
      %dma_wait3A_193 = arith.constant 0 : i32
      %dma_wait3A_194 = arith.constant 0 : i32
      %dma_wait3A_195 = tpu.memref_slice %run_scoped3A_8[%rem3A_178, %dma_wait3A_193, %dma_wait3A_194] : memref<2x64x64xf32, #tpu.memory_space<vmem>> -> memref<1x64x64xf32, #tpu.memory_space<vmem>>
      %dma_wait3A_196 = tpu.memref_squeeze %dma_wait3A_195 : memref<1x64x64xf32, #tpu.memory_space<vmem>> -> memref<64x64xf32, #tpu.memory_space<vmem>>
      tpu.wait_dma2 semaphore(%dma_wait3A_190 : memref<!tpu.dma_semaphore, #tpu.memory_space<semaphore_mem>>) src(%dma_wait3A_196 : memref<64x64xf32, #tpu.memory_space<vmem>>) dst(%dma_wait3A_192 : memref<64x64xf32, #tpu.memory_space<hbm>>)
      "tpu.trace_stop"() : () -> ()
      tpu.yield
    }) : () -> ()
    return
  }
}

</mosaic_0001>

<sc_bundles>
// kernel: kernel.3.cloned.1.call-start
scs
__scs_entry_jumppad:
0x0: {  	(pc) =	sbr.rel $0x88, $3  }
0x1: {  	(tag) =	ssettag $0x0;
	lr =	simm.s32 $0x1  }
0x2: {  	[smem:$0x3F9F] =	sst lr;
	_ =	strace $0xD0000000  }
0x3: {  	_ = 	snop  }
0x4: {  	_ = 	snop  }
0x5: {  	_ = 	snop  }
0x6: {  	_ = 	snop  }
0x7: {  	_ = 	snop  }
__scs_overlays_trampoline_lowered:
0x8: {  	[smem:$0x3FAE] =	sst s0  }
0x9: {  	[smem:$0x3FAF] =	sst s1  }
0xa: {  	[smem:$0x3FB0] =	sst s2  }
0xb: {  	[smem:$0x3FB1] =	sst s3  }
0xc: {  	[smem:$0x3FB2] =	sst s4  }
0xd: {  	[smem:$0x3FB3] =	sst s5  }
0xe: {  	[smem:$0x3FB4] =	sst s6  }
0xf: {  	[smem:$0x3FB5] =	sst s7  }
0x10: {  	[smem:$0x3FB6] =	sst s8  }
0x11: {  	[smem:$0x3FB7] =	sst s9;
	s0 =	simm.s32 @!p0 $0x0  }
0x12: {  	s1 =	sld [smem:$0x3F9D];
	s0 =	simm.s32 @p0 $0x1  }
0x13: {  	[smem:$0x3FB8] =	sst s0;
	s0 =	simm.s32 @!p1 $0x0  }
0x14: {  	s2 =	sld [smem:$0x3F9C];
	s0 =	simm.s32 @p1 $0x1  }
0x15: {  	[smem:$0x3FB9] =	sst s0;
	s0 =	simm.s32 @!p2 $0x0  }
0x16: {  	s3 =	sld [smem:$0x3FDB];
	s0 =	simm.s32 @p2 $0x1  }
0x17: {  	s4 =	simm.s32 $0x1BF5;
	[smem:$0x3FBB] =	sst s0  }
0x18: {  	s0 =	sld [smem:$0x3F9E];
	_ =	swait.ge [sflag:s4], $0x0  }
0x19: {  	s7 =	sld [smem:$0x3F9F]  }
0x1a: {  	s8 =	sadd.s32 $0xFFFFE003, lr  }
0x1b: {  	s9 =	sadd.s32 $0xFFFFFEF7, lr;
	s5 =	simm.s32 $0xFFFFFFFF;
	p2 =	slt.u32 s8, $0xFFFFF086  }
0x1c: {  	p1 =	slt.u32 s9, $0xF7A;
	s5 =	simm.s32 @!p2 $0x0  }
0x1d: {  	s5 =	simm.s32 @p1 $0x1;
	p0 =	seq.s32 s7, s2  }
0x1e: {  	s7 =	smul.u32 @!p0 $0xF7A, s2;
	p2 =	seq.s32 @!p0 s5, $0x0  }
0x1f: {  	s9 =	smul.u32 $0xF7A, s1;
	s8 =	simm.s32 @!p0 $0x1BF5;
	p2 =	por !p2, p0  }
0x20: {  	[sflag:s8] =	ssyncset.s32 @!p0 $0xFFFFF086;
	s6 =	sadd.s32 @!p0 s3, s7;
	s7 =	simm.s32 @!p0 $0x108  }
0x21: {  	s3 =	sadd.s32 s3, s9;
	s6 =	sadd.s32 @!p0 $0x88, s6;
	s7 =	simm.s32 @p2 $0x1082  }
0x22: {  	[simem:s7], [sflag:s8] =	dma.local @!p0 [hbm:s6], $0xF7A  }
0x23: {  	s9 =	sor.u32 $0xD0000000, s2;
	s6 =	simm.s32 $0x108;
	_ =	swait.ge @!p0 [sflag:s8], $0x0  }
0x24: {  	s3 =	sadd.s32 $0x88, s3;
	s6 =	simm.s32 @!p1 $0x1082;
	[sflag:s4] =	ssyncset.s32 $0xFFFFF086  }
0x25: {  	[simem:s6], [sflag:s4] =	dma.local [hbm:s3], $0xF7A  }
0x26: {  	[smem:$0x3F9F] =	sst s1;
	(tag) =	ssettag s2;
	_ =	strace s9  }
0x27: {  	s1 =	sld [smem:$0x3FAF]  }
0x28: {  	s2 =	sld [smem:$0x3FB0]  }
0x29: {  	s4 =	sld [smem:$0x3FB2]  }
0x2a: {  	p0 =	seq.s32 s5, $0x0;
	s5 =	sld [smem:$0x3FB3]  }
0x2b: {  	s6 =	sld [smem:$0x3FB4]  }
0x2c: {  	s7 =	sld [smem:$0x3FB5]  }
0x2d: {  	s3 =	simm.s32 $0x108;
	s8 =	sld [smem:$0x3FB6]  }
0x2e: {  	s3 =	simm.s32 @!p0 $0x1082;
	s9 =	sld [smem:$0x3FB7]  }
0x2f: {  	lr =	sadd.s32 s0, s3;
	s0 =	sld [smem:$0x3FAE]  }
0x30: {  	s3 =	sld [smem:$0x3FB1]  }
0x31: {  	[smem:$0x3FBA] =	sst s10  }
0x32: {  	s10 =	sld [smem:$0x3FB8];
	_ =	sdelay $0x3  }
0x33: {  	p0 =	seq.s32 s10, $0x1;
	s10 =	sld [smem:$0x3FBA];
	_ =	sdelay $0x3  }
0x34: {  	[smem:$0x3FBA] =	sst s10  }
0x35: {  	s10 =	sld [smem:$0x3FB9];
	_ =	sdelay $0x3  }
0x36: {  	p1 =	seq.s32 s10, $0x1;
	s10 =	sld [smem:$0x3FBA];
	_ =	sdelay $0x3  }
0x37: {  	[smem:$0x3FBA] =	sst s10  }
0x38: {  	s10 =	sld [smem:$0x3FBB]  }
0x39: {  	_ = 	snop;
	(pc) =	sbr.ind lr, $3  }
0x3a: {  	_ = 	snop  }
0x3b: {  	_ = 	snop  }
0x3c: {  	p2 =	seq.s32 s10, $0x1;
	s10 =	sld [smem:$0x3FBA]  }
0x3d: {  	_ =	shalt  }
0x3e: {  	_ =	shalt  }
0x3f: {  	_ =	shalt  }
0x40: {  	_ =	shalt  }
0x41: {  	_ =	shalt  }
0x42: {  	_ =	shalt  }
0x43: {  	_ =	shalt  }
0x44: {  	_ =	shalt  }
0x45: {  	_ =	shalt  }
0x46: {  	_ =	shalt  }
0x47: {  	_ =	shalt  }
0x48: {  	_ =	shalt  }
0x49: {  	_ =	shalt  }
0x4a: {  	_ =	shalt  }
0x4b: {  	_ =	shalt  }
0x4c: {  	_ =	shalt  }
0x4d: {  	_ =	shalt  }
0x4e: {  	_ =	shalt  }
0x4f: {  	_ =	shalt  }
0x50: {  	_ =	shalt  }
0x51: {  	_ =	shalt  }
0x52: {  	_ =	shalt  }
0x53: {  	_ =	shalt  }
0x54: {  	_ =	shalt  }
0x55: {  	_ =	shalt  }
0x56: {  	_ =	shalt  }
0x57: {  	_ =	shalt  }
0x58: {  	_ =	shalt  }
0x59: {  	_ =	shalt  }
0x5a: {  	_ =	shalt  }
0x5b: {  	_ =	shalt  }
0x5c: {  	_ =	shalt  }
0x5d: {  	_ =	shalt  }
0x5e: {  	_ =	shalt  }
0x5f: {  	_ =	shalt  }
0x60: {  	_ =	shalt  }
0x61: {  	_ =	shalt  }
0x62: {  	_ =	shalt  }
0x63: {  	_ =	shalt  }
0x64: {  	_ =	shalt  }
0x65: {  	_ =	shalt  }
0x66: {  	_ =	shalt  }
0x67: {  	_ =	shalt  }
0x68: {  	_ =	shalt  }
0x69: {  	_ =	shalt  }
0x6a: {  	_ =	shalt  }
0x6b: {  	_ =	shalt  }
0x6c: {  	_ =	shalt  }
0x6d: {  	_ =	shalt  }
0x6e: {  	_ =	shalt  }
0x6f: {  	_ =	shalt  }
0x70: {  	_ =	shalt  }
0x71: {  	_ =	shalt  }
0x72: {  	_ =	shalt  }
0x73: {  	_ =	shalt  }
0x74: {  	_ =	shalt  }
0x75: {  	_ =	shalt  }
0x76: {  	_ =	shalt  }
0x77: {  	_ =	shalt  }
0x78: {  	_ =	shalt  }
0x79: {  	_ =	shalt  }
0x7a: {  	_ =	shalt  }
0x7b: {  	_ =	shalt  }
0x7c: {  	_ =	shalt  }
0x7d: {  	_ =	shalt  }
0x7e: {  	_ =	shalt  }
0x7f: {  	_ =	shalt  }
0x80: {  	_ =	shalt  }
0x81: {  	_ =	shalt  }
0x82: {  	_ =	shalt  }
0x83: {  	_ =	shalt  }
0x84: {  	_ =	shalt  }
0x85: {  	_ =	shalt  }
0x86: {  	_ =	shalt  }
0x87: {  	_ =	shalt  }
.Lfunc_end0:
.L_simem_size_0:
called_computation.1_lowered:
.L_overlay_start_0:
0x88: {  	s2 =	sld [smem:$0x3FD9]  }
0x89: {  	s3 =	sld [smem:$0x3FFE];
	_ =	sdelay $0x1  }
0x8a: {  	s1 =	srdreg.scid  }
0x8b: {  	s0 =	sand.u32 $0x1, s1  }
0x8c: {  	s17 =	sshll.u32 s0, $0xA;
	s2 =	sadd.s32 s3, s2  }
0x8d: {  	s2 =	sadd.s32 s2, s17  }
0x8e: {  	[smem:$0x3FC6] =	sst s2  }
0x8f: {  	_ = 	snop  }
0x90: {  	s2 =	sld [smem:$0x3FD0];
	(tm) =	ssettm $0x1  }
0x91: {  	s18 =	sld [smem:$0x3FFB];
	_ =	sdelay $0x3  }
0x92: {  	_ =	strace s18  }
0x93: {  	s3 =	sld [smem:$0x3FFC];
	_ =	sdelay $0x3  }
0x94: {  	_ =	strace s3  }
0x95: {  	s3 =	sld [smem:$0x3FFD];
	_ =	sdelay $0x3  }
0x96: {  	_ =	strace s3  }
0x97: {  	_ =	strace $0x8FFFFFFF  }
0x98: {  	s19 =	sld [smem:$0x3FDB];
	_ =	sdelay $0x1  }
0x99: {  	s4 =	simm.s32 $_scs_section_size  }
0x9a: {  	s5 =	simm.s32 $_size__tile_overlayer_lowered;
	s6 =	simm.s32 $_tile_overlayer_lowered  }
0x9b: {  	s22 =	simm.s32 $0x1BFF;
	s21 =	sshll.u32 s6, $0x1;
	s3 =	sadd.s32 s4, s19  }
0x9c: {  	s7 =	simm.s32 $0x0;
	s20 =	sshll.u32 s5, $0x1;
	s5 =	sadd.s32 s21, s3  }
0x9d: {  	[timem:s7], [sflag:s22] =	dma.local [hbm:s5], s20  }
0x9e: {  	_ =	swait.ge [sflag:s22], s20  }
0x9f: {  	s4 =	ssub.s32 $0x0, s20;
	[sflag:s22] =	ssyncset.done $0x0  }
0xa0: {  	[sflag:s22] =	ssyncadd.s32 s4;
	_ =	sdelay $0x1  }
0xa1: {  	s23 =	simm.s32 $0x1B8B  }
0xa2: {  	_ =	swait.ge [sflag:s23], $0x1  }
0xa3: {  	[sflag:s23] =	ssyncset.done $0x0  }
0xa4: {  	s25 =	simm.s32 $0x1B8E;
	s24 =	sld [smem:$0x3FFE];
	[sflag:s23] =	ssyncadd.s32 $0xFFFFFFFF  }
0xa5: {  	s26 =	simm.s32 $execute0_lowered;
	[smem:$0x3FD2] =	sst s25  }
0xa6: {  	s5 =	sshll.u32 s26, $0x1;
	_ =	strace $0x80000046;
	[dreg:$0x1] =	wrdreg $0xFFFFFFFF  }
0xa7: {  	s28 =	simm.s32 $_size_execute0_lowered;
	s3 =	sadd.s32 s3, s5;
	[dreg:$0x0] =	wrdreg $0x0  }
0xa8: {  	s5 =	sshll.u32 s28, $0x1;
	[dreg:$0x2] =	wrdreg s3  }
0xa9: {  	[dreg:$0x3] =	wrdreg s5  }
0xaa: {  	[dreg:$0x4] =	wrdreg $0xC0  }
0xab: {  	_ =	task [dreg:s7], $0x5FFFF  }
0xac: {  	[dreg:$0x1] =	wrdreg $0xFFFFFFFF  }
0xad: {  	[dreg:$0x0] =	wrdreg $0x60  }
0xae: {  	[dreg:$0x2] =	wrdreg s24  }
0xaf: {  	[dreg:$0x3] =	wrdreg s2  }
0xb0: {  	[dreg:$0x4] =	wrdreg $0x9  }
0xb1: {  	_ =	task.clear_ibuf [dreg:s7], $0x5FFFF;
	_ =	strace $0x90000046  }
0xb2: {  	s29 =	simm.s32 $0x9;
	_ =	strace $0x8000004F  }
0xb3: {  	_ =	swait.ge [sflag:s29], $0x1  }
0xb4: {  	[sflag:s29] =	ssyncadd.s32 $0xFFFFFFFF  }
0xb5: {  	_ =	strace $0x9000004F  }
0xb6: {  	_ =	sfence  }
0xb7: {  	s30 =	sld [smem:$0x0];
	_ =	sdelay $0x2  }
0xb8: {  	s31 =	sshll.u32 s1, $0xD;
	s1 =	sshrl.u32 s1, $0x2  }
0xb9: {  	s3 =	sand.u32 $0x4000, s31;
	s1 =	sadd.s32 s1, s30  }
0xba: {  	s0 =	sor.u32 s3, s0;
	s1 =	sshll.u32 s1, $0x11  }
0xbb: {  	s0 =	sor.u32 s1, s0  }
0xbc: {  	s0 =	sadd.s32 $0x8F2B, s0  }
0xbd: {  	[sflag:s0] =	ssyncadd.remote.s32 $0x1  }
0xbe: {  	_ =	sfence.sel $0xFFFF  }
0xbf: {  	[dreg:$0x0] =	wrdreg $0xFFFFFFFF;
	(pc) =	sbr.abs _section_cstart, $3  }
0xc0: {  	[dreg:$0x1] =	wrdreg $0xFFFFFFFF  }
0xc1: {  	_ =	task.clear_ibuf [dreg:s7], $0x2FFFF;
	_ =	strace $0x9FFFFFFF  }
0xc2: {  	(tm) =	ssettm $0x7FFFFFFF  }
0xc3: {  	_ =	shalt  }
tec
execute0_lowered:
.L_overlay_start_1:
0x0: {  	(tag) =	ssettag $0x1  }
0x1: {  	s4 =	rddreg [dreg:$0x0]  }
0x2: {  	s0 =	rddreg [dreg:$0x1]  }
0x3: {  	s1 =	simm.s32 $0x0;
	s2 =	srdreg.scid;
	[dreg:$0x5] =	wrdreg s0  }
0x4: {  	s31 =	simm.s32 $0x40;
	s9 =	simm.s32 $0x0;
	s0 =	rddreg [dreg:$0x2]  }
0x5: {  	[smem:$0x7FF] =	sst s1;
	s3 =	sand.u32 $0x1, s2;
	s2 =	stileid.u32  }
0x6: {  	s6 =	sadd.s32 $0xA00, s4;
	s4 =	sadd.s32 $0x14400, s4;
	_ =	strace $0x80000047  }
0x7: {  	s5 =	sshll.u32 s3, $0x4;
	s7 =	ssub.s32 $0x2, s3;
	[dreg:$0x3] =	wrdreg s6  }
0x8: {  	[dreg:$0x4] =	wrdreg s31;
	s3 =	sor.u32 s2, s5;
	s29 =	sshrl.u32 s7, $0x1  }
0x9: {  	s8 =	sshll.u32 s3, $0x3;
	s30 =	ssub.s32 s7, s29;
	s7 =	simm.s32 $0x1  }
0xa: {  	s5 =	sadd.s32 s4, s8;
	s6 =	smax.u32 s30, $0x1;
	s8 =	simm.s32 $0x5  }
.LBB2_1:
0xb: {  	_ =	strace $0x80000048;
	s11 =	simm.s32 $0x1  }
0xc: {  	p0 =	por $0x0, $0x0;
	p6 =	por $0x1, $0x1;
	s10 =	simm.s32 $0x63F  }
0xd: {  	[tilespmem:s1], [sflag:$0x1] =	stream.linear.gather [hbm4b:s5+s1], $0x40, $0x200038;
	[tilespmem:$0x2080] =	vst v63  }
0xe: {  	s14 =	simm.s32 $0x0;
	s20 =	sand.u32 $0x1, s1;
	s11 =	simm.s32 @p0 $0x0  }
0xf: {  	s16 =	simm.s32 $0x1;
	s29 =	simm.s32 $0x0;
	s13 =	sshll.u32 s11, $0x5  }
0x10: {  	p3 =	por $0x0, $0x0;
	p1 =	por $0x0, $0x0;
	p2 =	sne.s32 s13, $0x0  }
0x11: {  	s23 =	simm.s32 $0x1;
	p4 =	por $0x1, $0x1;
	p0 =	por !p6, !p2  }
0x12: {  	s30 =	sadd.s32 $0x1, s20;
	s19 =	sshll.u32 s20, $0xC;
	p0 =	por !p0, !p0  }
0x13: {  	s24 =	sand.u32 $0x40, s29;
	s26 =	sor.u32 s3, s14;
	s12 =	sor.u32 @p0 s3, s13  }
0x14: {  	_ =	strace $0x90000048;
	s15 =	sand.u32 @p0 $0x1, s7;
	s12 =	sshll.u32 @p0 s12, $0x3  }
0x15: {  	s17 =	simm.s32 @p0 $0x0;
	_ =	strace @p0 $0x80000049;
	s12 =	sand.u32 @p0 $0x1FFFFFF8, s12  }
0x16: {  	s18 =	sshll.u32 @p0 s15, $0x6;
	s15 =	sadd.s32 @p0 $0x1, s15;
	s12 =	sadd.s32 @p0 s4, s12  }
0x17: {  	[tilespmem:s18], [sflag:s15] =	stream.linear.gather @p0 [hbm4b:s12+s17], $0x40, $0x200038;
	[tilespmem:$0x2080] =	vst v63  }
0x18: {  	s19 =	sor.u32 $0x80, s19;
	p3 =	por p3, p2;
	_ =	strace @p0 $0x90000049  }
0x19: {  	s23 =	simm.s32 @!p3 $0x0;
	s16 =	simm.s32 @!p0 $0x0;
	_ =	strace $0x8000004A  }
0x1a: {  	s14 =	sadd.s32 $0x0, s23;
	s15 =	simm.s32 $0x63E;
	_ =	swait.ge [sflag:s30], $0x40  }
0x1b: {  	s17 =	sadd.s32 $0x1, s16;
	s18 =	sadd.s32 $0x1, s11;
	[sflag:s30] =	ssyncset.done $0x0  }
0x1c: {  	s12 =	sadd.s32 $0x0, s23;
	p2 =	seq.s32 s18, $0x640;
	[sflag:s30] =	ssyncadd.s32 $0xFFFFFFC0  }
0x1d: {  	s11 =	simm.s32 $0x0;
	s18 =	simm.s32 @p2 $0x0;
	_ =	strace $0x9000004A  }
0x1e: {  	p0 =	por $0x1, $0x1;
	s21 =	sshll.u32 s18, $0x5;
	_ =	strace $0x8000004B  }
0x1f: {  	s16 =	sand.u32 @!p0 $0x1, s1;
	p2 =	sne.s32 s13, s21;
	s31 =	rddreg [dreg:$0x3]  }
0x20: {  	p0 =	por p0, p0;
	p4 =	por !p4, !p2;
	s22 =	rddreg [dreg:$0x4]  }
0x21: {  	[tilespmem:s19], [sflag:$0x5] =	stream.indirect.gather [hbm4b:s31+s22], $0x40, s24, s22, $0x2000b8;
	[tilespmem:$0x2080] =	vst v63  }
0x22: {  	p4 =	por !p4, !p4;
	s24 =	sadd.s32 @p3 $0x3, s20;
	_ =	swait.ge [sflag:s8], $0x1000  }
0x23: {  	s22 =	sand.u32 @p4 $0x1, s17;
	s20 =	sor.u32 @p4 s3, s21;
	[sflag:s8] =	ssyncset.done $0x0  }
.LBB2_2:
0x24: {  	s23 =	sshll.u32 @p4 s20, $0x3  }
0x25: {  	s20 =	sand.u32 $0x1, s14;
	[sflag:s8] =	ssyncadd.s32 $0xFFFFF000;
	s25 =	smov.u32 s10  }
0x26: {  	s10 =	smov.u32 s15;
	s21 =	smov.u32 s13;
	s28 =	sand.u32 $0x1, s12  }
0x27: {  	s29 =	simm.s32 $0x1;
	s26 =	sshll.u32 @p3 s26, $0x9;
	s15 =	sadd.s32 $0xFFFFFFFF, s15  }
0x28: {  	s31 =	simm.s32 $0x1;
	s13 =	sand.u32 @p4 $0x1FFFFFF8, s23;
	_ =	strace $0x9000004B  }
0x29: {  	s23 =	sshll.u32 s12, $0x6;
	s29 =	simm.s32 @!p4 $0x0;
	_ =	strace @p3 $0x8000004C  }
0x2a: {  	s26 =	sand.u32 @p3 $0x1FFFFE00, s26;
	p6 =	seq.s32 s25, $0x640;
	s30 =	rddreg [dreg:$0x5]  }
0x2b: {  	s17 =	sadd.s32 s29, s17;
	s29 =	simm.s32 @p3 $0x0;
	s26 =	sadd.s32 @p3 s30, s26  }
0x2c: {  	[hbm4b:s26+s29] =	stream.linear.scatter @p3 [tilespmem:s19], [sflag:s24], $0x1000, $0x200038;
	[tilespmem:$0x2080] =	vst v63  }
0x2d: {  	s31 =	simm.s32 @!p1 $0x0;
	p5 =	sne.s32 s15, $0x0;
	_ =	strace @p3 $0x9000004C  }
0x2e: {  	p1 =	sne.s32 s25, $0x640;
	s30 =	sadd.s32 @!p0 $0x3, s16;
	_ =	strace @!p0 $0x8000004D  }
0x2f: {  	s13 =	sadd.s32 @p4 s4, s13;
	s11 =	sadd.s32 s31, s11;
	_ =	swait.ge @!p0 [sflag:s30], $0x1000  }
0x30: {  	s31 =	sadd.s32 $0x1, s28;
	s16 =	sand.u32 @!p6 $0x1, s11;
	[sflag:s30] =	ssyncset.done @!p0 $0x0  }
0x31: {  	s19 =	simm.s32 @p4 $0x0;
	s24 =	sshll.u32 @p4 s22, $0x6;
	[sflag:s30] =	ssyncadd.s32 @!p0 $0xFFFFF000  }
0x32: {  	s22 =	sadd.s32 @p4 $0x1, s22;
	s29 =	simm.s32 $0x1;
	_ =	strace @!p0 $0x9000004D  }
0x33: {  	s26 =	sor.u32 s3, s21;
	p0 =	por p6, p6;
	_ =	strace @p4 $0x80000049  }
0x34: {  	[tilespmem:s24], [sflag:s22] =	stream.linear.gather @p4 [hbm4b:s13+s19], $0x40, $0x200038;
	[tilespmem:$0x2080] =	vst v63  }
0x35: {  	p6 =	sne.s32 s10, $0x1;
	s19 =	sshll.u32 s20, $0xC;
	_ =	strace @p4 $0x90000049  }
0x36: {  	s13 =	sshll.u32 s18, $0x5;
	s22 =	sand.u32 $0x40, s23;
	_ =	strace $0x8000004A  }
0x37: {  	p4 =	seq.s32 s25, $0x1;
	s25 =	sadd.s32 $0x1, s18;
	_ =	swait.ge [sflag:s31], $0x40  }
0x38: {  	p3 =	por p4, p2;
	p2 =	seq.s32 s25, $0x640;
	[sflag:s31] =	ssyncset.done $0x0  }
0x39: {  	s19 =	sor.u32 $0x80, s19;
	s25 =	simm.s32 @p2 $0x0;
	[sflag:s31] =	ssyncadd.s32 $0xFFFFFFC0  }
0x3a: {  	s29 =	simm.s32 @!p3 $0x0;
	s24 =	sadd.s32 @p3 $0x3, s20;
	_ =	strace $0x9000004A  }
0x3b: {  	s23 =	sshll.u32 s25, $0x5;
	s12 =	sadd.s32 s29, s12;
	_ =	strace $0x8000004B  }
.Ltmp0:
0x3c: {  	p2 =	sne.s32 s13, s23;
	s30 =	rddreg [dreg:$0x3];
	(pc) =	sbr.rel @p5 .LBB2_2-.Ltmp0, $4  }
0x3d: {  	s14 =	sadd.s32 s29, s14;
	p4 =	por !p6, !p2;
	s31 =	rddreg [dreg:$0x4]  }
0x3e: {  	[tilespmem:s19], [sflag:$0x5] =	stream.indirect.gather [hbm4b:s30+s31], $0x40, s22, s31, $0x2000b8;
	[tilespmem:$0x2080] =	vst v63  }
0x3f: {  	s18 =	smov.u32 s25;
	p4 =	por !p4, !p4;
	_ =	swait.ge [sflag:s8], $0x1000  }
0x40: {  	s20 =	sor.u32 @p4 s3, s23;
	s22 =	sand.u32 @p4 $0x1, s17;
	[sflag:s8] =	ssyncset.done $0x0  }
0x41: {  	[sflag:s8] =	ssyncadd.s32 $0xFFFFF000  }
0x42: {  	_ =	strace $0x9000004B  }
0x43: {  	s17 =	sshll.u32 @p3 s26, $0x9;
	_ =	strace @p3 $0x8000004C  }
0x44: {  	s17 =	sand.u32 @p3 $0x1FFFFE00, s17;
	s15 =	rddreg [dreg:$0x5]  }
0x45: {  	s18 =	simm.s32 @p3 $0x0;
	s15 =	sadd.s32 @p3 s15, s17  }
0x46: {  	[hbm4b:s15+s18] =	stream.linear.scatter @p3 [tilespmem:s19], [sflag:s24], $0x1000, $0x200038;
	[tilespmem:$0x2080] =	vst v63  }
0x47: {  	_ =	strace @p3 $0x9000004C  }
0x48: {  	s15 =	sadd.s32 @!p0 $0x3, s16;
	_ =	strace @!p0 $0x8000004D  }
0x49: {  	_ =	swait.ge @!p0 [sflag:s15], $0x1000  }
0x4a: {  	[sflag:s15] =	ssyncset.done @!p0 $0x0  }
0x4b: {  	s17 =	sshll.u32 @p4 s22, $0x6;
	s16 =	sshll.u32 @p4 s20, $0x3;
	[sflag:s15] =	ssyncadd.s32 @!p0 $0xFFFFF000  }
0x4c: {  	s18 =	sadd.s32 @p4 $0x1, s22;
	s16 =	sand.u32 @p4 $0x1FFFFFF8, s16;
	_ =	strace @!p0 $0x9000004D  }
0x4d: {  	s15 =	sadd.s32 @p4 s4, s16;
	s16 =	simm.s32 @p4 $0x0;
	_ =	strace @p4 $0x80000049  }
0x4e: {  	[tilespmem:s17], [sflag:s18] =	stream.linear.gather @p4 [hbm4b:s15+s16], $0x40, $0x200038;
	[tilespmem:$0x2080] =	vst v63  }
0x4f: {  	s26 =	sand.u32 $0x1, s12;
	_ =	strace @p4 $0x90000049  }
0x50: {  	s15 =	sadd.s32 $0x1, s26;
	_ =	strace $0x8000004A  }
0x51: {  	_ =	swait.ge [sflag:s15], $0x40  }
0x52: {  	[sflag:s15] =	ssyncset.done $0x0  }
0x53: {  	[sflag:s15] =	ssyncadd.s32 $0xFFFFFFC0  }
0x54: {  	_ =	strace $0x9000004A  }
0x55: {  	s14 =	sand.u32 $0x1, s14;
	_ =	strace $0x8000004B  }
0x56: {  	s30 =	sshll.u32 s12, $0x6;
	s31 =	sshll.u32 s14, $0xC;
	s28 =	rddreg [dreg:$0x3]  }
0x57: {  	s12 =	sand.u32 $0x40, s30;
	s17 =	sor.u32 $0x80, s31;
	s29 =	rddreg [dreg:$0x4]  }
0x58: {  	[tilespmem:s17], [sflag:$0x5] =	stream.indirect.gather [hbm4b:s28+s29], $0x40, s12, s29, $0x2000b8;
	[tilespmem:$0x2080] =	vst v63  }
0x59: {  	_ =	swait.ge [sflag:s8], $0x1000  }
0x5a: {  	p6 =	seq.s32 s10, $0x1;
	[sflag:s8] =	ssyncset.done $0x0  }
0x5b: {  	s13 =	sor.u32 s3, s13;
	p0 =	por p6, p2;
	[sflag:s8] =	ssyncadd.s32 $0xFFFFF000  }
0x5c: {  	s13 =	sshll.u32 @p0 s13, $0x9;
	s12 =	simm.s32 $0x1;
	_ =	strace $0x9000004B  }
0x5d: {  	s12 =	simm.s32 @!p1 $0x0;
	p1 =	seq.s32 s10, $0x640;
	_ =	strace @p0 $0x8000004C  }
0x5e: {  	s11 =	sadd.s32 s12, s11;
	s12 =	sand.u32 @p0 $0x1FFFFE00, s13;
	s15 =	rddreg [dreg:$0x5]  }
0x5f: {  	s13 =	sadd.s32 @p0 $0x3, s14;
	s14 =	simm.s32 @p0 $0x0;
	s12 =	sadd.s32 @p0 s15, s12  }
0x60: {  	[hbm4b:s12+s14] =	stream.linear.scatter @p0 [tilespmem:s17], [sflag:s13], $0x1000, $0x200038;
	[tilespmem:$0x2080] =	vst v63  }
0x61: {  	s12 =	sand.u32 @!p1 $0x1, s11;
	p1 =	por p1, p1;
	_ =	strace @p0 $0x9000004C  }
0x62: {  	s12 =	sadd.s32 @!p1 $0x3, s12;
	_ =	strace @!p1 $0x8000004D  }
0x63: {  	p0 =	sne.s32 s10, $0x640;
	s10 =	simm.s32 $0x1;
	_ =	swait.ge @!p1 [sflag:s12], $0x1000  }
0x64: {  	s10 =	simm.s32 @!p0 $0x0;
	[sflag:s12] =	ssyncset.done @!p1 $0x0  }
0x65: {  	s9 =	sadd.s32 $0x1, s9;
	s10 =	sadd.s32 s10, s11;
	[sflag:s12] =	ssyncadd.s32 @!p1 $0xFFFFF000  }
0x66: {  	p0 =	sne.s32 s9, s6;
	s10 =	sand.u32 $0x1, s10;
	_ =	strace @!p1 $0x9000004D  }
.Ltmp1:
0x67: {  	s10 =	sadd.s32 $0x3, s10;
	_ =	strace $0x8000004E;
	(pc) =	sbr.rel @p0 .LBB2_1-.Ltmp1, $4  }
0x68: {  	_ =	swait.ge [sflag:s10], $0x1000  }
0x69: {  	[sflag:s10] =	ssyncset.done $0x0  }
0x6a: {  	[sflag:s10] =	ssyncadd.s32 $0xFFFFF000  }
0x6b: {  	_ =	strace $0x9000004E  }
0x6c: {  	_ =	sfence.sel $0x180000  }
0x6d: {  	[bflag:$0x0] =	sbarrier.arrive $0xFFFF  }
0x6e: {  	p0 =	sne.s32 s2, $0x0;
	_ =	strace $0x90000047  }
0x6f: {  	s0 =	sadd.s32 @!p0 $0x100000, s0;
	[bflag:$0x2] =	sbarrier.arrive $0xFFFF  }
0x70: {  	[sflag:s0] =	ssyncadd.tile.s32 @!p0 $0x1;
	_ =	shalt  }
.Lfunc_end2:
_tile_overlayer_lowered:
.L_overlay_start_2:
0x71: {  	(tag) =	ssettag $0x2  }
0x72: {  	s0 =	rddreg [dreg:$0x0];
	s2 =	stileid.u32  }
0x73: {  	s1 =	rddreg [dreg:$0x1];
	p0 =	sne.s32 s2, $0x0  }
0x74: {  	s3 =	rddreg [dreg:$0x2];
	[bflag:$0x3] =	sbarrier.arrive $0xFFFF;
	s2 =	simm.s32 @!p0 $0x1C01  }
0x75: {  	[timem:s3], [sflag:s2] =	dma.local @!p0 [hbm:s0], s1  }
0x76: {  	s0 =	simm.s32 @!p0 $0x1  }
0x77: {  	_ =	swait.ge @!p0 [sflag:s0], s1  }
0x78: {  	s1 =	ssub.s32 @!p0 $0x0, s1;
	[sflag:s0] =	ssyncset.done @!p0 $0x0  }
0x79: {  	[sflag:s0] =	ssyncadd.s32 @!p0 s1  }
0x7a: {  	[bflag:$0x3] =	sbarrier.arrive $0xFFFF  }
0x7b: {  	_ =	shalt  }

// kernel: sparse-core-data-format-call.cloned.1.call-start
scs
called_computation_lowered:
.L_overlay_start_0:
0x0: {  	s2 =	sld [smem:$0x3FD9]  }
0x1: {  	s3 =	sld [smem:$0x3FFE];
	_ =	sdelay $0x1  }
0x2: {  	s1 =	srdreg.scid  }
0x3: {  	s0 =	sand.u32 $0x1, s1  }
0x4: {  	s18 =	sshll.u32 s0, $0xA;
	s2 =	sadd.s32 s3, s2  }
0x5: {  	s2 =	sadd.s32 s2, s18  }
0x6: {  	[smem:$0x3FC6] =	sst s2  }
0x7: {  	_ = 	snop  }
0x8: {  	s2 =	sld [smem:$0x3FD0];
	(tm) =	ssettm $0x1  }
0x9: {  	s19 =	sld [smem:$0x3FFB];
	_ =	sdelay $0x3  }
0xa: {  	_ =	strace s19  }
0xb: {  	s3 =	sld [smem:$0x3FFC];
	_ =	sdelay $0x3  }
0xc: {  	_ =	strace s3  }
0xd: {  	s3 =	sld [smem:$0x3FFD];
	_ =	sdelay $0x3  }
0xe: {  	_ =	strace s3  }
0xf: {  	_ =	strace $0x8FFFFFFF  }
0x10: {  	s20 =	sld [smem:$0x3FDB];
	_ =	sdelay $0x1  }
0x11: {  	s4 =	simm.s32 $_scs_section_size  }
0x12: {  	s5 =	simm.s32 $_size__tile_overlayer_lowered;
	s6 =	simm.s32 $_tile_overlayer_lowered  }
0x13: {  	s23 =	simm.s32 $0x1BFF;
	s22 =	sshll.u32 s6, $0x1;
	s3 =	sadd.s32 s4, s20  }
0x14: {  	s7 =	simm.s32 $0x0;
	s21 =	sshll.u32 s5, $0x1;
	s5 =	sadd.s32 s22, s3  }
0x15: {  	[timem:s7], [sflag:s23] =	dma.local [hbm:s5], s21  }
0x16: {  	_ =	swait.ge [sflag:s23], s21  }
0x17: {  	s4 =	ssub.s32 $0x0, s21;
	[sflag:s23] =	ssyncset.done $0x0  }
0x18: {  	[sflag:s23] =	ssyncadd.s32 s4;
	_ =	sdelay $0x1  }
0x19: {  	s24 =	simm.s32 $0x1B8B  }
0x1a: {  	_ =	swait.ge [sflag:s24], $0x1  }
0x1b: {  	[sflag:s24] =	ssyncset.done $0x0  }
0x1c: {  	s26 =	simm.s32 $0x1B8E;
	s25 =	sld [smem:$0x3FFE];
	[sflag:s24] =	ssyncadd.s32 $0xFFFFFFFF  }
0x1d: {  	s27 =	simm.s32 $execute0_lowered;
	[smem:$0x3FD2] =	sst s26  }
0x1e: {  	s5 =	sshll.u32 s27, $0x1;
	_ =	strace $0x80000050;
	[dreg:$0x1] =	wrdreg $0xFFFFFFFF  }
0x1f: {  	s28 =	simm.s32 $_size_execute0_lowered;
	s3 =	sadd.s32 s3, s5;
	[dreg:$0x0] =	wrdreg $0x0  }
0x20: {  	s5 =	sshll.u32 s28, $0x1;
	[dreg:$0x2] =	wrdreg s3  }
0x21: {  	[dreg:$0x3] =	wrdreg s5  }
0x22: {  	[dreg:$0x4] =	wrdreg $0xC0  }
0x23: {  	_ =	task [dreg:s7], $0x5FFFF  }
0x24: {  	[dreg:$0x1] =	wrdreg $0xFFFFFFFF  }
0x25: {  	[dreg:$0x0] =	wrdreg $0x60  }
0x26: {  	[dreg:$0x2] =	wrdreg s25  }
0x27: {  	[dreg:$0x3] =	wrdreg s2  }
0x28: {  	[dreg:$0x4] =	wrdreg $0x9  }
0x29: {  	_ =	task.clear_ibuf [dreg:s7], $0x5FFFF;
	_ =	strace $0x90000050  }
0x2a: {  	s29 =	simm.s32 $0x9;
	_ =	strace $0x80000052  }
0x2b: {  	_ =	swait.ge [sflag:s29], $0x1  }
0x2c: {  	[sflag:s29] =	ssyncadd.s32 $0xFFFFFFFF  }
0x2d: {  	_ =	strace $0x90000052  }
0x2e: {  	_ =	sfence  }
0x2f: {  	s30 =	sld [smem:$0x0];
	_ =	sdelay $0x2  }
0x30: {  	s31 =	sshll.u32 s1, $0xD;
	s1 =	sshrl.u32 s1, $0x2  }
0x31: {  	s3 =	sand.u32 $0x4000, s31;
	s1 =	sadd.s32 s1, s30  }
0x32: {  	s0 =	sor.u32 s3, s0;
	s1 =	sshll.u32 s1, $0x11  }
0x33: {  	s0 =	sor.u32 s1, s0  }
0x34: {  	s0 =	sadd.s32 $0x8F2B, s0  }
0x35: {  	[sflag:s0] =	ssyncadd.remote.s32 $0x1  }
0x36: {  	_ =	sfence.sel $0xFFFF  }
0x37: {  	[dreg:$0x0] =	wrdreg $0xFFFFFFFF;
	(pc) =	sbr.abs _section_cstart, $3  }
0x38: {  	[dreg:$0x1] =	wrdreg $0xFFFFFFFF  }
0x39: {  	_ =	task.clear_ibuf [dreg:s7], $0x2FFFF;
	_ =	strace $0x9FFFFFFF  }
0x3a: {  	(tm) =	ssettm $0x7FFFFFFF  }
0x3b: {  	_ =	shalt  }
tec
execute0_lowered:
.L_overlay_start_1:
0x0: {  	(tag) =	ssettag $0x1  }
0x1: {  	s0 =	srdreg.scid  }
0x2: {  	s1 =	sshll.u32 s0, $0x4  }
0x3: {  	s0 =	stileid.u32;
	s1 =	sand.u32 $0x10, s1  }
0x4: {  	s1 =	sor.u32 s0, s1  }
0x5: {  	s6 =	rddreg [dreg:$0x0];
	s4 =	simm.s32 $0x1;
	s2 =	sshll.u32 s1, $0x7  }
0x6: {  	s7 =	simm.s32 $0x2;
	s12 =	simm.s32 $0x0;
	s1 =	ssub.s32 $0x4000, s2  }
0x7: {  	s8 =	simm.s32 $0x20000;
	s13 =	simm.s32 $0x0;
	s3 =	sand.u32 $0xF80, s1  }
0x8: {  	s9 =	simm.s32 $0x0;
	s5 =	sshrl.u32 s1, $0xC;
	p0 =	sne.s32 s3, $0x0  }
.Ltmp0:
0x9: {  	s1 =	rddreg [dreg:$0x2];
	s4 =	simm.s32 @!p0 $0x0;
	(pc) =	sbr.rel .LBB1_1-.Ltmp0, $4  }
0xa: {  	s11 =	simm.s32 $0x0;
	s3 =	rddreg [dreg:$0x1];
	s5 =	sadd.s32 s4, s5  }
0xb: {  	_ =	strace $0x80000051;
	s4 =	simm.s32 $0x1;
	s5 =	smul.u32 $0xC8, s5  }
0xc: {  	s6 =	sadd.s32 $0xA00, s6;
	s10 =	smov.u32 s2;
	[sflag:s4] =	ssyncpa.u1 $0x0  }
0xd: {  	p0 =	por $0x0, $0x0;
	[sflag:s7] =	ssyncpa.u1 $0x0;
	s7 =	sor.u32 $0x1, s5  }
.LBB1_4:
0xe: {  	s16 =	sshll.u32 s13, $0x3;
	s17 =	sand.u32 $0x78, s13  }
0xf: {  	s30 =	sand.u32 $0x1F800, s13;
	s12 =	sshll.u32 s12, $0x11;
	s16 =	sand.u32 $0x3C00, s16  }
0x10: {  	[tilespmem:s15+$0x810 ss:$0x81] =	vst.msk $0xffff, v2;
	s31 =	sand.u32 $0x7, s13;
	s16 =	sor.u32 s17, s16;
	s17 =	sadd.s32 s3, s30  }
0x11: {  	[tilespmem:s15+$0x1020 ss:$0x81] =	vst.msk $0xffff, v0;
	s13 =	sshll.u32 s31, $0x12;
	s12 =	sadd.s32 s12, s17;
	s16 =	sshrl.u32 s16, $0x3  }
0x12: {  	[tilespmem:s15+$0x0 ss:$0x81] =	vst.msk $0xffff, v1;
	s13 =	sor.u32 $0x400, s13;
	s12 =	sadd.s32 s16, s12  }
0x13: {  	[hbm4b:s12+s13] =	stream.strided.scatter [tilespmem:s14], [sflag:$0x2], $0x2000, s8, s13, $0x20;
	[tilespmem:$0x8080] =	vst v63  }
.LBB1_5:
0x14: {  	s14 =	sadd.s32 $0x1, s9  }
0x15: {  	s12 =	sadd.s32 $0x1000, s10;
	s16 =	smov.u32 s10;
	p2 =	sgt.s32 s14, $0xC7  }
0x16: {  	s16 =	smov.u32 @p2 s12  }
0x17: {  	s14 =	simm.s32 @p2 $0x0;
	p2 =	sgt.s32 s16, $0x3FFF  }
0x18: {  	s16 =	smov.u32 @p2 s2;
	p2 =	sne.s32 s11, s7  }
.Ltmp1:
0x19: {  	p1 =	slt.u32 s11, $0x2;
	(pc) =	sbr.rel @!p2 .LBB1_6-.Ltmp1, $4  }
0x1a: {  	s15 =	simm.s32 @!p1 $0x2  }
0x1b: {  	s13 =	smov.u32 s10;
	p0 =	por !p0, !p0;
	_ =	swait.ge @!p1 [sflag:s15], $0x2000  }
0x1c: {  	s12 =	smov.u32 s9;
	[sflag:s15] =	ssyncset.done @!p1 $0x0;
	s9 =	smov.u32 s14  }
0x1d: {  	s11 =	sadd.s32 $0x1, s11;
	[sflag:s15] =	ssyncadd.s32 @!p1 $0xFFFFE000;
	s10 =	smov.u32 s16  }
.LBB1_1:
0x1e: {  	p1 =	sge.u32 s11, s5  }
0x1f: {  	s14 =	sand.u32 @!p1 $0x1FFFFFF, s9  }
0x20: {  	s15 =	smulhi.u32 @!p1 $0x147AE15, s14;
	_ =	sdelay $0x1  }
0x21: {  	s15 =	smul.u32 @!p1 $0xC8, s15  }
0x22: {  	s16 =	sxor.u32 @!p1 $0xFFFFFFFF, s11;
	s17 =	smul.u32 @!p1 $0xC80, s10  }
0x23: {  	s31 =	sadd.s32 $0xFFFFFFFF, s11;
	s16 =	sshll.u32 @!p1 s16, $0xD;
	s14 =	ssub.s32 @!p1 s14, s15  }
0x24: {  	s15 =	sand.u32 @!p1 $0x2000, s16;
	s16 =	sadd.s32 @!p1 s6, s17;
	s14 =	sshll.u32 @!p1 s14, $0x4  }
0x25: {  	s17 =	simm.s32 @!p1 $0x6400;
	s14 =	sadd.s32 @!p1 s14, s16;
	s16 =	simm.s32 @!p1 $0x40  }
0x26: {  	[tilespmem:s15], [sflag:$0x1] =	stream.strided.gather @!p1 [hbm4b:s14+s16], $0x2000, s17, s16, $0x38;
	[tilespmem:$0x8080] =	vst v63  }
0x27: {  	p1 =	sge.u32 s31, s5  }
.Ltmp2:
0x28: {  	_ = 	snop;
	(pc) =	sbr.rel @p1 .LBB1_5-.Ltmp2, $1  }
0x29: {  	_ =	sdelay $0x3  }
0x2a: {  	s14 =	simm.s32 $0x1  }
0x2b: {  	_ =	swait.ge [sflag:s4], $0x2000;
	s14 =	simm.s32 @!p0 $0x0  }
0x2c: {  	[sflag:s4] =	ssyncset.done $0x0;
	s15 =	sshll.u32 s14, $0xD  }
0x2d: {  	[sflag:s4] =	ssyncadd.s32 $0xFFFFE000;
	s18 =	sor.u32 $0x20, s15  }
0x2e: {  	s14 =	smul.u32 $0x8100, s14;
	v3 =	vld [tilespmem:s18+$0x10]  }
0x2f: {  	s30 =	sand.u32 $0x1, s11;
	v2 =	vld [tilespmem:s18+$0xFFFFFFF0]  }
0x30: {  	s15 =	smul.u32 $0x8100, s30;
	s14 =	sshrl.u32 s14, $0x2;
	v0 =	vld [tilespmem:s18+$0x0]  }
0x31: {  	v1 =	vld [tilespmem:s18+$0xFFFFFFE0];
	s16 =	sor.u32 $0x4000, s14  }
0x32: {  	s31 =	sshrl.u32 s15, $0x2;
	s15 =	sadd.s32 $0x0, s16  }
0x33: {  	s17 =	simm.s32 $0x4;
	s18 =	sadd.s32 $0x40, s18;
	s14 =	sor.u32 $0x4000, s31;
	[tilespmem:s15+$0x1830 ss:$0x81] =	vst.msk $0xffff, v3  }
.LBB1_3:
0x34: {  	v3 =	vld [tilespmem:s18+$0x10];
	p1 =	sne.s32 s17, $0x1FC;
	[tilespmem:s15+$0x810 ss:$0x81] =	vst.msk $0xffff, v2;
	s19 =	smov.u32 s17;
	s17 =	sadd.s32 $0x4, s17  }
.Ltmp3:
0x35: {  	v2 =	vld [tilespmem:s18+$0xFFFFFFF0];
	[tilespmem:s15+$0x1020 ss:$0x81] =	vst.msk $0xffff, v0;
	(pc) =	sbr.rel @p1 .LBB1_3-.Ltmp3, $4  }
0x36: {  	v0 =	vld [tilespmem:s18+$0x0];
	[tilespmem:s15+$0x0 ss:$0x81] =	vst.msk $0xffff, v1  }
0x37: {  	s15 =	sshra.s32 s19, $0x2;
	v1 =	vld [tilespmem:s18+$0xFFFFFFE0]  }
0x38: {  	s15 =	sadd.s32 s15, s16  }
0x39: {  	s18 =	sadd.s32 $0x40, s18;
	[tilespmem:s15+$0x1830 ss:$0x81] =	vst.msk $0xffff, v3  }
.Ltmp4:
0x3a: {  	_ = 	snop;
	(pc) =	sbr.rel .LBB1_4-.Ltmp4, $1  }
0x3b: {  	_ =	sdelay $0x3  }
.LBB1_6:
0x3c: {  	_ =	sfence.sel $0x180000  }
0x3d: {  	s2 =	simm.s32 $0x1;
	[bflag:$0x0] =	sbarrier.arrive $0xFFFF  }
0x3e: {  	s31 =	simm.s32 $0x2;
	[sflag:s2] =	ssyncpa.u1 $0x1  }
0x3f: {  	[sflag:s31] =	ssyncpa.u1 $0x1  }
0x40: {  	p0 =	sne.s32 s0, $0x0;
	_ =	strace $0x90000051  }
0x41: {  	s0 =	sadd.s32 @!p0 $0x100000, s1;
	[bflag:$0x2] =	sbarrier.arrive $0xFFFF  }
0x42: {  	[sflag:s0] =	ssyncadd.tile.s32 @!p0 $0x1;
	_ =	shalt  }
.Lfunc_end1:
_tile_overlayer_lowered:
.L_overlay_start_2:
0x43: {  	(tag) =	ssettag $0x2  }
0x44: {  	s0 =	rddreg [dreg:$0x0];
	s2 =	stileid.u32  }
0x45: {  	s1 =	rddreg [dreg:$0x1];
	p0 =	sne.s32 s2, $0x0  }
0x46: {  	s3 =	rddreg [dreg:$0x2];
	[bflag:$0x3] =	sbarrier.arrive $0xFFFF;
	s2 =	simm.s32 @!p0 $0x1C01  }
0x47: {  	[timem:s3], [sflag:s2] =	dma.local @!p0 [hbm:s0], s1  }
0x48: {  	s0 =	simm.s32 @!p0 $0x1  }
0x49: {  	_ =	swait.ge @!p0 [sflag:s0], s1  }
0x4a: {  	s1 =	ssub.s32 @!p0 $0x0, s1;
	[sflag:s0] =	ssyncset.done @!p0 $0x0  }
0x4b: {  	[sflag:s0] =	ssyncadd.s32 @!p0 s1  }
0x4c: {  	[bflag:$0x3] =	sbarrier.arrive $0xFFFF  }
0x4d: {  	_ =	shalt  }

</sc_bundles>
